<compile_context>
chip_gen: v7x
topology: tpu7x:2x2x1
jax: 0.10.2.dev20260603
libtpu: 0.0.44.dev20260713+nightly
codegen_flags: <defaults>
</compile_context>

<pallas_src>
import jax
import jax.numpy as jnp
from jax import lax
from jax.experimental import pallas as pl
from jax.experimental.pallas import tpu as pltpu
from jax.experimental.pallas import tpu_sc as plsc

NC = 2
NS = 16
NW = NC * NS
CHW = 128

K0 = 84
K1 = 73
KMAX = max(K0, K1)


def _sc_mesh():
    return plsc.VectorSubcoreMesh(core_axis_name="c", subcore_axis_name="s")


def _make_degree_kernel(n_pad):

    def body(edges_hbm, ones_hbm, zeros_hbm, out_hbm, dstv, onesv, acc):
        c = lax.axis_index("c")
        s = lax.axis_index("s")
        k = jnp.where(c == 0, K0, K1)
        start = jnp.where(c == 0, s * K0, NS * K0 + s * K1)
        r = n_pad // NS
        pltpu.sync_copy(zeros_hbm.at[pl.ds(s * r, r)], acc.at[pl.ds(s * r, r)])
        pltpu.sync_copy(edges_hbm.at[1, pl.ds(start, KMAX)], dstv)
        pltpu.sync_copy(ones_hbm, onesv)
        plsc.subcore_barrier()

        def chunk(j, carry):
            @pl.when(j < k)
            def _():
                pltpu.sync_copy(onesv, acc.at[dstv.at[j]], add=True)
            return carry

        lax.fori_loop(0, KMAX, chunk, 0)
        plsc.subcore_barrier()
        pltpu.sync_copy(acc.at[pl.ds(s * r, r)], out_hbm.at[c, pl.ds(s * r, r)])

    return pl.kernel(
        body,
        out_type=jax.ShapeDtypeStruct((NC, n_pad, 8), jnp.float32),
        mesh=_sc_mesh(),
        compiler_params=pltpu.CompilerParams(use_tc_tiling_on_sc=False),
        scratch_types=[
            pltpu.VMEM((KMAX, CHW), jnp.int32),
            pltpu.VMEM((CHW, 8), jnp.float32),
            pltpu.VMEM_SHARED((n_pad, 8), jnp.float32),
        ],
    )


def _make_segsum_kernel(n_pad, f):

    def body(g_hbm, edges_hbm, zeros_hbm, out_hbm, srcv, dstv, msg, acc):
        c = lax.axis_index("c")
        s = lax.axis_index("s")
        k = jnp.where(c == 0, K0, K1)
        start = jnp.where(c == 0, s * K0, NS * K0 + s * K1)
        r = n_pad // NS
        pltpu.sync_copy(zeros_hbm.at[pl.ds(s * r, r)], acc.at[pl.ds(s * r, r)])
        pltpu.sync_copy(edges_hbm.at[0, pl.ds(start, KMAX)], srcv)
        pltpu.sync_copy(edges_hbm.at[1, pl.ds(start, KMAX)], dstv)
        plsc.subcore_barrier()

        def chunk(j, carry):
            @pl.when(j < k)
            def _():
                pltpu.sync_copy(g_hbm.at[srcv.at[j]], msg)
                pltpu.sync_copy(msg, acc.at[dstv.at[j]], add=True)
            return carry

        lax.fori_loop(0, KMAX, chunk, 0)
        plsc.subcore_barrier()
        pltpu.sync_copy(acc.at[pl.ds(s * r, r)], out_hbm.at[c, pl.ds(s * r, r)])

    return pl.kernel(
        body,
        out_type=jax.ShapeDtypeStruct((NC, n_pad, f), jnp.float32),
        mesh=_sc_mesh(),
        compiler_params=pltpu.CompilerParams(use_tc_tiling_on_sc=False),
        scratch_types=[
            pltpu.VMEM((KMAX, CHW), jnp.int32),
            pltpu.VMEM((KMAX, CHW), jnp.int32),
            pltpu.VMEM((CHW, f), jnp.float32),
            pltpu.VMEM_SHARED((n_pad, f), jnp.float32),
        ],
    )




def _dinv(d0_ref, d1_ref):
    deg = d0_ref[:, 0:1] + d1_ref[:, 0:1] + 1.0
    return lax.rsqrt(jnp.maximum(deg, 1.0))


def _mm_body(x_ref, w_ref, h_ref):
    h_ref[...] = jnp.dot(x_ref[...], w_ref[...],
                         preferred_element_type=jnp.float32)


def _tc1_body(h_ref, d0_ref, d1_ref, g_ref):
    g_ref[...] = h_ref[...] * _dinv(d0_ref, d1_ref)


def _tc2_body(p0_ref, p1_ref, g1_ref, d0_ref, d1_ref, b1_ref, w2_ref, g2_ref):
    dinv = _dinv(d0_ref, d1_ref)
    h1 = jnp.maximum(
        dinv * (p0_ref[...] + p1_ref[...] + g1_ref[...]) + b1_ref[...], 0.0)
    g2_ref[...] = jnp.dot(h1, w2_ref[...],
                          preferred_element_type=jnp.float32) * dinv


def _tc3_body(q0_ref, q1_ref, g2_ref, d0_ref, d1_ref, b2_ref, o_ref):
    t = (_dinv(d0_ref, d1_ref) * (q0_ref[...] + q1_ref[...] + g2_ref[...])
         + b2_ref[...])
    m = jnp.max(t, axis=1, keepdims=True)
    lse = m + jnp.log(jnp.sum(jnp.exp(t - m), axis=1, keepdims=True))
    o_ref[...] = t - lse


def _rows_spec(bn, cols):
    return pl.BlockSpec((bn, cols), lambda i: (i, 0))


def _full_spec(shape):
    return pl.BlockSpec(shape, lambda i: tuple(0 for _ in shape))


@jax.jit
def kernel(x, edge_index, W1, b1, W2, b2):
    n, f_in = x.shape
    h = W1.shape[1]
    c_out = W2.shape[1]
    e = edge_index.shape[1]

    n_pad = ((n + 1) + NS * 8 - 1) // (NS * 8) * (NS * 8)
    dump = n
    nch = NS * (K0 + K1)
    assert nch * CHW >= e
    e_pad = (nch + KMAX) * CHW

    pad_col = jnp.concatenate([
        jnp.zeros((1, e_pad - e), jnp.int32),
        jnp.full((1, e_pad - e), dump, jnp.int32),
    ])
    edges = jnp.concatenate([edge_index, pad_col], axis=1).reshape(
        2, nch + KMAX, CHW)

    zeros8 = jnp.zeros((n_pad, 8), jnp.float32)
    ones8 = jnp.ones((CHW, 8), jnp.float32)

    bn = 2000
    grid = (n // bn,)

    h1m = pl.pallas_call(
        _mm_body,
        grid=grid,
        in_specs=[_rows_spec(bn, f_in), _full_spec((f_in, h))],
        out_specs=_rows_spec(bn, h),
        out_shape=jax.ShapeDtypeStruct((n, h), jnp.float32),
    )(x, W1)

    degp = _make_degree_kernel(n_pad)(edges, ones8, zeros8)
    d0 = degp[0, :n]
    d1 = degp[1, :n]

    g1 = pl.pallas_call(
        _tc1_body,
        grid=grid,
        in_specs=[
            _rows_spec(bn, h),
            _rows_spec(bn, 8),
            _rows_spec(bn, 8),
        ],
        out_specs=_rows_spec(bn, h),
        out_shape=jax.ShapeDtypeStruct((n, h), jnp.float32),
    )(h1m, d0, d1)

    zeros_h = jnp.zeros((n_pad, h), jnp.float32)
    sp1 = _make_segsum_kernel(n_pad, h)(g1, edges, zeros_h)

    g2 = pl.pallas_call(
        _tc2_body,
        grid=grid,
        in_specs=[
            _rows_spec(bn, h),
            _rows_spec(bn, h),
            _rows_spec(bn, h),
            _rows_spec(bn, 8),
            _rows_spec(bn, 8),
            _full_spec((1, h)),
            _full_spec((h, c_out)),
        ],
        out_specs=_rows_spec(bn, c_out),
        out_shape=jax.ShapeDtypeStruct((n, c_out), jnp.float32),
    )(sp1[0, :n], sp1[1, :n], g1, d0, d1, b1.reshape(1, h), W2)

    zeros_c = jnp.zeros((n_pad, c_out), jnp.float32)
    sp2 = _make_segsum_kernel(n_pad, c_out)(g2, edges, zeros_c)

    out = pl.pallas_call(
        _tc3_body,
        grid=grid,
        in_specs=[
            _rows_spec(bn, c_out),
            _rows_spec(bn, c_out),
            _rows_spec(bn, c_out),
            _rows_spec(bn, 8),
            _rows_spec(bn, 8),
            _full_spec((1, c_out)),
        ],
        out_specs=_rows_spec(bn, c_out),
        out_shape=jax.ShapeDtypeStruct((n, c_out), jnp.float32),
    )(sp2[0, :n], sp2[1, :n], g2, d0, d1, b2.reshape(1, c_out))

    return out

# --- scband reference (transcript-rebuilt; emitter-appended) ---
"""Pipeline reference for scband-gcn-57440892616779 (READ-ONLY COPY).

The authoritative reference and input builder live on the scoring server;
editing this copy changes nothing except your own understanding.
"""

import jax, jax.numpy as jnp
import numpy as np

N, E, F_IN, H, C = 10000, 320000, 128, 16, 40

def setup_inputs(seed: int = 0) -> dict:
    key = jax.random.key(seed)
    ks = jax.random.split(key, 6)
    x = jax.random.normal(ks[0], (N, F_IN), dtype=jnp.float32)
    edge_index = jax.random.randint(ks[1], (2, E), 0, N, dtype=jnp.int32)
    W1 = jax.random.normal(ks[2], (F_IN, H), dtype=jnp.float32) * (1.0 / np.sqrt(F_IN))
    b1 = jnp.zeros((H,), dtype=jnp.float32)
    W2 = jax.random.normal(ks[3], (H, C), dtype=jnp.float32) * (1.0 / np.sqrt(H))
    b2 = jnp.zeros((C,), dtype=jnp.float32)
    return {"x": x, "edge_index": edge_index, "W1": W1, "b1": b1, "W2": W2, "b2": b2}

def reference(x, edge_index, W1, b1, W2, b2):
    # GCN: two GCNConv layers with symmetric normalization and self-loops,
    # relu between, dropout in eval mode (identity), final log_softmax.
    n = x.shape[0]
    src, dst = edge_index[0], edge_index[1]
    loop = jnp.arange(n, dtype=src.dtype)
    src2 = jnp.concatenate([src, loop])
    dst2 = jnp.concatenate([dst, loop])
    deg = jax.ops.segment_sum(jnp.ones_like(dst2, dtype=x.dtype), dst2, num_segments=n)
    dinv = jax.lax.rsqrt(jnp.maximum(deg, 1.0))
    norm = dinv[src2] * dinv[dst2]

    def gcn_layer(h, W, b):
        h = h @ W
        msg = jnp.take(h, src2, axis=0) * norm[:, None]
        agg = jax.ops.segment_sum(msg, dst2, num_segments=n)
        return agg + b

    h1 = jax.nn.relu(gcn_layer(x, W1, b1))
    # F.dropout(training=False) -> identity
    out = gcn_layer(h1, W2, b2)
    return jax.nn.log_softmax(out, axis=1)

if __name__ == "__main__":
    import jax
    _d = setup_inputs()
    print(jax.jit(kernel)(*tuple(_d.values())))

</pallas_src>

<mosaic_0001>
#map = affine_map<(d0, d1) -> (0, 0, 0)>
#map1 = affine_map<(d0, d1) -> (0, 0)>
module attributes {stable_mosaic.version = 14 : i64} {
  func.func @body(%arg0: i32, %arg1: i32, %arg2: memref<2x2596x128xi32, #tpu.memory_space<hbm>>, %arg3: memref<128x8xf32, #tpu.memory_space<hbm>>, %arg4: memref<10112x8xf32, #tpu.memory_space<hbm>>, %arg5: memref<2x10112x8xf32, #tpu.memory_space<hbm>>, %arg6: memref<84x128xi32, #tpu.memory_space<vmem>>, %arg7: memref<128x8xf32, #tpu.memory_space<vmem>>, %arg8: memref<10112x8xf32, #tpu.memory_space<vmem_shared>>) attributes {dimension_semantics = [#tpu.dimension_semantics<core_parallel>, #tpu.dimension_semantics<subcore_parallel>], iteration_bounds = array<i64: 2, 16>, scalar_prefetch = 0 : i64, scratch_operands = 3 : i64, tpu.core_type = #tpu.core_type<sc_vector_subcore>, window_params = [{transform_indices = #map}, {transform_indices = #map1}, {transform_indices = #map1}, {transform_indices = #map}]} {
    %eq3A = arith.constant 0 : i32
    %eq3A_0 = arith.cmpi eq, %arg0, %eq3A : i32
    %jit3A = arith.constant 84 : i32
    %jit3A_1 = arith.constant 73 : i32
    %select_n3A = arith.select %eq3A_0, %jit3A, %jit3A_1 : i32
    %eq3A_2 = arith.constant 0 : i32
    %eq3A_3 = arith.cmpi eq, %arg0, %eq3A_2 : i32
    %mul3A = arith.constant 84 : i32
    %mul3A_4 = arith.muli %arg1, %mul3A : i32
    %mul3A_5 = arith.constant 73 : i32
    %mul3A_6 = arith.muli %arg1, %mul3A_5 : i32
    %add3A = arith.constant 1344 : i32
    %add3A_7 = arith.addi %add3A, %mul3A_6 : i32
    %select_n3A_8 = arith.select %eq3A_3, %mul3A_4, %add3A_7 : i32
    %mul3A_9 = arith.constant 632 : i32
    %mul3A_10 = arith.muli %arg1, %mul3A_9 : i32
    %mul3A_11 = arith.constant 632 : i32
    %mul3A_12 = arith.muli %arg1, %mul3A_11 : i32
    "tpu.region"() ({
      %run_scoped3A_23 = tpu.sem_alloc : memref<!tpu.dma_semaphore, #tpu.memory_space<semaphore_mem>>
      %dma_start3A = arith.constant 0 : i32
      %dma_start3A_24 = tpu.memref_slice %arg8[%mul3A_12, %dma_start3A] : memref<10112x8xf32, #tpu.memory_space<vmem_shared>> -> memref<632x8xf32, #tpu.memory_space<vmem_shared>>
      %dma_start3A_25 = arith.constant 0 : i32
      %dma_start3A_26 = tpu.memref_slice %arg4[%mul3A_10, %dma_start3A_25] : memref<10112x8xf32, #tpu.memory_space<hbm>> -> memref<632x8xf32, #tpu.memory_space<hbm>>
      tpu.enqueue_dma source(%dma_start3A_26 : memref<632x8xf32, #tpu.memory_space<hbm>>) target(%dma_start3A_24 : memref<632x8xf32, #tpu.memory_space<vmem_shared>>) target_semaphore(%run_scoped3A_23 : memref<!tpu.dma_semaphore, #tpu.memory_space<semaphore_mem>>)
      %dma_wait3A = arith.constant 0 : i32
      %dma_wait3A_27 = tpu.memref_slice %arg8[%mul3A_12, %dma_wait3A] : memref<10112x8xf32, #tpu.memory_space<vmem_shared>> -> memref<632x8xf32, #tpu.memory_space<vmem_shared>>
      %dma_wait3A_28 = arith.constant 0 : i32
      %dma_wait3A_29 = tpu.memref_slice %arg4[%mul3A_10, %dma_wait3A_28] : memref<10112x8xf32, #tpu.memory_space<hbm>> -> memref<632x8xf32, #tpu.memory_space<hbm>>
      tpu.wait_dma2 semaphore(%run_scoped3A_23 : memref<!tpu.dma_semaphore, #tpu.memory_space<semaphore_mem>>) src(%dma_wait3A_29 : memref<632x8xf32, #tpu.memory_space<hbm>>) dst(%dma_wait3A_27 : memref<632x8xf32, #tpu.memory_space<vmem_shared>>)
      tpu.yield
    }) : () -> ()
    %run_scoped3A = arith.constant 1 : i32
    "tpu.region"() ({
      %run_scoped3A_23 = tpu.sem_alloc : memref<!tpu.dma_semaphore, #tpu.memory_space<semaphore_mem>>
      %dma_start3A = arith.constant 0 : i32
      %dma_start3A_24 = tpu.memref_slice %arg2[%run_scoped3A, %select_n3A_8, %dma_start3A] : memref<2x2596x128xi32, #tpu.memory_space<hbm>> -> memref<1x84x128xi32, #tpu.memory_space<hbm>>
      %dma_start3A_25 = tpu.memref_squeeze %dma_start3A_24 : memref<1x84x128xi32, #tpu.memory_space<hbm>> -> memref<84x128xi32, #tpu.memory_space<hbm>>
      %dma_start3A_26 = arith.constant 0 : i32
      %dma_start3A_27 = tpu.memref_slice %arg2[%run_scoped3A, %select_n3A_8, %dma_start3A_26] : memref<2x2596x128xi32, #tpu.memory_space<hbm>> -> memref<1x84x128xi32, #tpu.memory_space<hbm>>
      %dma_start3A_28 = tpu.memref_squeeze %dma_start3A_27 : memref<1x84x128xi32, #tpu.memory_space<hbm>> -> memref<84x128xi32, #tpu.memory_space<hbm>>
      tpu.enqueue_dma source(%dma_start3A_28 : memref<84x128xi32, #tpu.memory_space<hbm>>) target(%arg6 : memref<84x128xi32, #tpu.memory_space<vmem>>) target_semaphore(%run_scoped3A_23 : memref<!tpu.dma_semaphore, #tpu.memory_space<semaphore_mem>>)
      %dma_wait3A = arith.constant 0 : i32
      %dma_wait3A_29 = tpu.memref_slice %arg2[%run_scoped3A, %select_n3A_8, %dma_wait3A] : memref<2x2596x128xi32, #tpu.memory_space<hbm>> -> memref<1x84x128xi32, #tpu.memory_space<hbm>>
      %dma_wait3A_30 = tpu.memref_squeeze %dma_wait3A_29 : memref<1x84x128xi32, #tpu.memory_space<hbm>> -> memref<84x128xi32, #tpu.memory_space<hbm>>
      %dma_wait3A_31 = arith.constant 0 : i32
      %dma_wait3A_32 = tpu.memref_slice %arg2[%run_scoped3A, %select_n3A_8, %dma_wait3A_31] : memref<2x2596x128xi32, #tpu.memory_space<hbm>> -> memref<1x84x128xi32, #tpu.memory_space<hbm>>
      %dma_wait3A_33 = tpu.memref_squeeze %dma_wait3A_32 : memref<1x84x128xi32, #tpu.memory_space<hbm>> -> memref<84x128xi32, #tpu.memory_space<hbm>>
      tpu.wait_dma2 semaphore(%run_scoped3A_23 : memref<!tpu.dma_semaphore, #tpu.memory_space<semaphore_mem>>) src(%dma_wait3A_33 : memref<84x128xi32, #tpu.memory_space<hbm>>) dst(%arg6 : memref<84x128xi32, #tpu.memory_space<vmem>>)
      tpu.yield
    }) : () -> ()
    "tpu.region"() ({
      %run_scoped3A_23 = tpu.sem_alloc : memref<!tpu.dma_semaphore, #tpu.memory_space<semaphore_mem>>
      tpu.enqueue_dma source(%arg3 : memref<128x8xf32, #tpu.memory_space<hbm>>) target(%arg7 : memref<128x8xf32, #tpu.memory_space<vmem>>) target_semaphore(%run_scoped3A_23 : memref<!tpu.dma_semaphore, #tpu.memory_space<semaphore_mem>>)
      tpu.wait_dma2 semaphore(%run_scoped3A_23 : memref<!tpu.dma_semaphore, #tpu.memory_space<semaphore_mem>>) src(%arg3 : memref<128x8xf32, #tpu.memory_space<hbm>>) dst(%arg7 : memref<128x8xf32, #tpu.memory_space<vmem>>)
      tpu.yield
    }) : () -> ()
    %barrier3A = arith.constant 0 : index
    tpu.barrier barrier_id(%barrier3A)
    %scan3A = arith.constant 0 : i32
    %scan3A_13 = arith.constant 0 : i32
    %scan3A_14 = arith.constant 84 : i32
    %scan3A_15 = arith.addi %scan3A_13, %scan3A_14 : i32
    %scan3A_16 = arith.constant 1 : i32
    scf.for %scan3A_23 = %scan3A_13 to %scan3A_15 step %scan3A_16  : i32 {
      %lt3A = arith.cmpi slt, %scan3A_23, %select_n3A : i32
      %convert_element_type3A = arith.extui %lt3A : i1 to i32
      %cond3A = arith.constant 0 : i32
      %cond3A_24 = arith.cmpi ne, %convert_element_type3A, %cond3A : i32
      scf.if %cond3A_24 {
        "tpu.region"() ({
          %run_scoped3A_25 = tpu.sem_alloc : memref<!tpu.dma_semaphore, #tpu.memory_space<semaphore_mem>>
          %dma_start3A = arith.constant 0 : i32
          %dma_start3A_26 = tpu.memref_slice %arg6[%scan3A_23, %dma_start3A] : memref<84x128xi32, #tpu.memory_space<vmem>> -> memref<1x128xi32, #tpu.memory_space<vmem>>
          %dma_start3A_27 = tpu.memref_squeeze %dma_start3A_26 : memref<1x128xi32, #tpu.memory_space<vmem>> -> memref<128xi32, #tpu.memory_space<vmem>>
          %dma_start3A_28 = arith.constant 0 : i32
          %dma_start3A_29 = arith.constant 0 : i32
          %dma_start3A_30 = tpu.memref_slice %arg8[%dma_start3A_28, %dma_start3A_29] : memref<10112x8xf32, #tpu.memory_space<vmem_shared>> -> memref<10112x8xf32, #tpu.memory_space<vmem_shared>>
          tpu.enqueue_indirect_dma source(%arg7 : memref<128x8xf32, #tpu.memory_space<vmem>>) target(%dma_start3A_30 : memref<10112x8xf32, #tpu.memory_space<vmem_shared>>) offsets(%dma_start3A_27 : memref<128xi32, #tpu.memory_space<vmem>>) semaphore(%run_scoped3A_25 : memref<!tpu.dma_semaphore, #tpu.memory_space<semaphore_mem>>) {add = true}
          %dma_wait3A = arith.constant 0 : i32
          %dma_wait3A_31 = tpu.memref_slice %arg6[%scan3A_23, %dma_wait3A] : memref<84x128xi32, #tpu.memory_space<vmem>> -> memref<1x128xi32, #tpu.memory_space<vmem>>
          %dma_wait3A_32 = tpu.memref_squeeze %dma_wait3A_31 : memref<1x128xi32, #tpu.memory_space<vmem>> -> memref<128xi32, #tpu.memory_space<vmem>>
          %dma_wait3A_33 = arith.constant 0 : i32
          %dma_wait3A_34 = arith.constant 0 : i32
          %dma_wait3A_35 = tpu.memref_slice %arg8[%dma_wait3A_33, %dma_wait3A_34] : memref<10112x8xf32, #tpu.memory_space<vmem_shared>> -> memref<10112x8xf32, #tpu.memory_space<vmem_shared>>
          tpu.wait_indirect_dma semaphore(%run_scoped3A_25 : memref<!tpu.dma_semaphore, #tpu.memory_space<semaphore_mem>>) src(%arg7 : memref<128x8xf32, #tpu.memory_space<vmem>>) dst(%dma_wait3A_35 : memref<10112x8xf32, #tpu.memory_space<vmem_shared>>)
          tpu.yield
        }) : () -> ()
      } else {
      }
    }
    %scan3A_17 = arith.constant 84 : i32
    %barrier3A_18 = arith.constant 0 : index
    tpu.barrier barrier_id(%barrier3A_18)
    %mul3A_19 = arith.constant 632 : i32
    %mul3A_20 = arith.muli %arg1, %mul3A_19 : i32
    %mul3A_21 = arith.constant 632 : i32
    %mul3A_22 = arith.muli %arg1, %mul3A_21 : i32
    "tpu.region"() ({
      %run_scoped3A_23 = tpu.sem_alloc : memref<!tpu.dma_semaphore, #tpu.memory_space<semaphore_mem>>
      %dma_start3A = arith.constant 0 : i32
      %dma_start3A_24 = tpu.memref_slice %arg5[%arg0, %mul3A_22, %dma_start3A] : memref<2x10112x8xf32, #tpu.memory_space<hbm>> -> memref<1x632x8xf32, #tpu.memory_space<hbm>>
      %dma_start3A_25 = tpu.memref_squeeze %dma_start3A_24 : memref<1x632x8xf32, #tpu.memory_space<hbm>> -> memref<632x8xf32, #tpu.memory_space<hbm>>
      %dma_start3A_26 = arith.constant 0 : i32
      %dma_start3A_27 = tpu.memref_slice %arg8[%mul3A_20, %dma_start3A_26] : memref<10112x8xf32, #tpu.memory_space<vmem_shared>> -> memref<632x8xf32, #tpu.memory_space<vmem_shared>>
      tpu.enqueue_dma source(%dma_start3A_27 : memref<632x8xf32, #tpu.memory_space<vmem_shared>>) target(%dma_start3A_25 : memref<632x8xf32, #tpu.memory_space<hbm>>) target_semaphore(%run_scoped3A_23 : memref<!tpu.dma_semaphore, #tpu.memory_space<semaphore_mem>>)
      %dma_wait3A = arith.constant 0 : i32
      %dma_wait3A_28 = tpu.memref_slice %arg5[%arg0, %mul3A_22, %dma_wait3A] : memref<2x10112x8xf32, #tpu.memory_space<hbm>> -> memref<1x632x8xf32, #tpu.memory_space<hbm>>
      %dma_wait3A_29 = tpu.memref_squeeze %dma_wait3A_28 : memref<1x632x8xf32, #tpu.memory_space<hbm>> -> memref<632x8xf32, #tpu.memory_space<hbm>>
      %dma_wait3A_30 = arith.constant 0 : i32
      %dma_wait3A_31 = tpu.memref_slice %arg8[%mul3A_20, %dma_wait3A_30] : memref<10112x8xf32, #tpu.memory_space<vmem_shared>> -> memref<632x8xf32, #tpu.memory_space<vmem_shared>>
      tpu.wait_dma2 semaphore(%run_scoped3A_23 : memref<!tpu.dma_semaphore, #tpu.memory_space<semaphore_mem>>) src(%dma_wait3A_31 : memref<632x8xf32, #tpu.memory_space<vmem_shared>>) dst(%dma_wait3A_29 : memref<632x8xf32, #tpu.memory_space<hbm>>)
      tpu.yield
    }) : () -> ()
    return
  }
}

#map = affine_map<(d0, d1) -> (0, 0)>
#map1 = affine_map<(d0, d1) -> (0, 0, 0)>
module attributes {stable_mosaic.version = 14 : i64} {
  func.func @body(%arg0: i32, %arg1: i32, %arg2: memref<10000x16xf32, #tpu.memory_space<hbm>>, %arg3: memref<2x2596x128xi32, #tpu.memory_space<hbm>>, %arg4: memref<10112x16xf32, #tpu.memory_space<hbm>>, %arg5: memref<2x10112x16xf32, #tpu.memory_space<hbm>>, %arg6: memref<84x128xi32, #tpu.memory_space<vmem>>, %arg7: memref<84x128xi32, #tpu.memory_space<vmem>>, %arg8: memref<128x16xf32, #tpu.memory_space<vmem>>, %arg9: memref<10112x16xf32, #tpu.memory_space<vmem_shared>>) attributes {dimension_semantics = [#tpu.dimension_semantics<core_parallel>, #tpu.dimension_semantics<subcore_parallel>], iteration_bounds = array<i64: 2, 16>, scalar_prefetch = 0 : i64, scratch_operands = 4 : i64, tpu.core_type = #tpu.core_type<sc_vector_subcore>, window_params = [{transform_indices = #map}, {transform_indices = #map1}, {transform_indices = #map}, {transform_indices = #map1}]} {
    %eq3A = arith.constant 0 : i32
    %eq3A_0 = arith.cmpi eq, %arg0, %eq3A : i32
    %jit3A = arith.constant 84 : i32
    %jit3A_1 = arith.constant 73 : i32
    %select_n3A = arith.select %eq3A_0, %jit3A, %jit3A_1 : i32
    %eq3A_2 = arith.constant 0 : i32
    %eq3A_3 = arith.cmpi eq, %arg0, %eq3A_2 : i32
    %mul3A = arith.constant 84 : i32
    %mul3A_4 = arith.muli %arg1, %mul3A : i32
    %mul3A_5 = arith.constant 73 : i32
    %mul3A_6 = arith.muli %arg1, %mul3A_5 : i32
    %add3A = arith.constant 1344 : i32
    %add3A_7 = arith.addi %add3A, %mul3A_6 : i32
    %select_n3A_8 = arith.select %eq3A_3, %mul3A_4, %add3A_7 : i32
    %mul3A_9 = arith.constant 632 : i32
    %mul3A_10 = arith.muli %arg1, %mul3A_9 : i32
    %mul3A_11 = arith.constant 632 : i32
    %mul3A_12 = arith.muli %arg1, %mul3A_11 : i32
    "tpu.region"() ({
      %run_scoped3A_24 = tpu.sem_alloc : memref<!tpu.dma_semaphore, #tpu.memory_space<semaphore_mem>>
      %dma_start3A = arith.constant 0 : i32
      %dma_start3A_25 = tpu.memref_slice %arg9[%mul3A_12, %dma_start3A] : memref<10112x16xf32, #tpu.memory_space<vmem_shared>> -> memref<632x16xf32, #tpu.memory_space<vmem_shared>>
      %dma_start3A_26 = arith.constant 0 : i32
      %dma_start3A_27 = tpu.memref_slice %arg4[%mul3A_10, %dma_start3A_26] : memref<10112x16xf32, #tpu.memory_space<hbm>> -> memref<632x16xf32, #tpu.memory_space<hbm>>
      tpu.enqueue_dma source(%dma_start3A_27 : memref<632x16xf32, #tpu.memory_space<hbm>>) target(%dma_start3A_25 : memref<632x16xf32, #tpu.memory_space<vmem_shared>>) target_semaphore(%run_scoped3A_24 : memref<!tpu.dma_semaphore, #tpu.memory_space<semaphore_mem>>)
      %dma_wait3A = arith.constant 0 : i32
      %dma_wait3A_28 = tpu.memref_slice %arg9[%mul3A_12, %dma_wait3A] : memref<10112x16xf32, #tpu.memory_space<vmem_shared>> -> memref<632x16xf32, #tpu.memory_space<vmem_shared>>
      %dma_wait3A_29 = arith.constant 0 : i32
      %dma_wait3A_30 = tpu.memref_slice %arg4[%mul3A_10, %dma_wait3A_29] : memref<10112x16xf32, #tpu.memory_space<hbm>> -> memref<632x16xf32, #tpu.memory_space<hbm>>
      tpu.wait_dma2 semaphore(%run_scoped3A_24 : memref<!tpu.dma_semaphore, #tpu.memory_space<semaphore_mem>>) src(%dma_wait3A_30 : memref<632x16xf32, #tpu.memory_space<hbm>>) dst(%dma_wait3A_28 : memref<632x16xf32, #tpu.memory_space<vmem_shared>>)
      tpu.yield
    }) : () -> ()
    %run_scoped3A = arith.constant 0 : i32
    "tpu.region"() ({
      %run_scoped3A_24 = tpu.sem_alloc : memref<!tpu.dma_semaphore, #tpu.memory_space<semaphore_mem>>
      %dma_start3A = arith.constant 0 : i32
      %dma_start3A_25 = tpu.memref_slice %arg3[%run_scoped3A, %select_n3A_8, %dma_start3A] : memref<2x2596x128xi32, #tpu.memory_space<hbm>> -> memref<1x84x128xi32, #tpu.memory_space<hbm>>
      %dma_start3A_26 = tpu.memref_squeeze %dma_start3A_25 : memref<1x84x128xi32, #tpu.memory_space<hbm>> -> memref<84x128xi32, #tpu.memory_space<hbm>>
      %dma_start3A_27 = arith.constant 0 : i32
      %dma_start3A_28 = tpu.memref_slice %arg3[%run_scoped3A, %select_n3A_8, %dma_start3A_27] : memref<2x2596x128xi32, #tpu.memory_space<hbm>> -> memref<1x84x128xi32, #tpu.memory_space<hbm>>
      %dma_start3A_29 = tpu.memref_squeeze %dma_start3A_28 : memref<1x84x128xi32, #tpu.memory_space<hbm>> -> memref<84x128xi32, #tpu.memory_space<hbm>>
      tpu.enqueue_dma source(%dma_start3A_29 : memref<84x128xi32, #tpu.memory_space<hbm>>) target(%arg6 : memref<84x128xi32, #tpu.memory_space<vmem>>) target_semaphore(%run_scoped3A_24 : memref<!tpu.dma_semaphore, #tpu.memory_space<semaphore_mem>>)
      %dma_wait3A = arith.constant 0 : i32
      %dma_wait3A_30 = tpu.memref_slice %arg3[%run_scoped3A, %select_n3A_8, %dma_wait3A] : memref<2x2596x128xi32, #tpu.memory_space<hbm>> -> memref<1x84x128xi32, #tpu.memory_space<hbm>>
      %dma_wait3A_31 = tpu.memref_squeeze %dma_wait3A_30 : memref<1x84x128xi32, #tpu.memory_space<hbm>> -> memref<84x128xi32, #tpu.memory_space<hbm>>
      %dma_wait3A_32 = arith.constant 0 : i32
      %dma_wait3A_33 = tpu.memref_slice %arg3[%run_scoped3A, %select_n3A_8, %dma_wait3A_32] : memref<2x2596x128xi32, #tpu.memory_space<hbm>> -> memref<1x84x128xi32, #tpu.memory_space<hbm>>
      %dma_wait3A_34 = tpu.memref_squeeze %dma_wait3A_33 : memref<1x84x128xi32, #tpu.memory_space<hbm>> -> memref<84x128xi32, #tpu.memory_space<hbm>>
      tpu.wait_dma2 semaphore(%run_scoped3A_24 : memref<!tpu.dma_semaphore, #tpu.memory_space<semaphore_mem>>) src(%dma_wait3A_34 : memref<84x128xi32, #tpu.memory_space<hbm>>) dst(%arg6 : memref<84x128xi32, #tpu.memory_space<vmem>>)
      tpu.yield
    }) : () -> ()
    %run_scoped3A_13 = arith.constant 1 : i32
    "tpu.region"() ({
      %run_scoped3A_24 = tpu.sem_alloc : memref<!tpu.dma_semaphore, #tpu.memory_space<semaphore_mem>>
      %dma_start3A = arith.constant 0 : i32
      %dma_start3A_25 = tpu.memref_slice %arg3[%run_scoped3A_13, %select_n3A_8, %dma_start3A] : memref<2x2596x128xi32, #tpu.memory_space<hbm>> -> memref<1x84x128xi32, #tpu.memory_space<hbm>>
      %dma_start3A_26 = tpu.memref_squeeze %dma_start3A_25 : memref<1x84x128xi32, #tpu.memory_space<hbm>> -> memref<84x128xi32, #tpu.memory_space<hbm>>
      %dma_start3A_27 = arith.constant 0 : i32
      %dma_start3A_28 = tpu.memref_slice %arg3[%run_scoped3A_13, %select_n3A_8, %dma_start3A_27] : memref<2x2596x128xi32, #tpu.memory_space<hbm>> -> memref<1x84x128xi32, #tpu.memory_space<hbm>>
      %dma_start3A_29 = tpu.memref_squeeze %dma_start3A_28 : memref<1x84x128xi32, #tpu.memory_space<hbm>> -> memref<84x128xi32, #tpu.memory_space<hbm>>
      tpu.enqueue_dma source(%dma_start3A_29 : memref<84x128xi32, #tpu.memory_space<hbm>>) target(%arg7 : memref<84x128xi32, #tpu.memory_space<vmem>>) target_semaphore(%run_scoped3A_24 : memref<!tpu.dma_semaphore, #tpu.memory_space<semaphore_mem>>)
      %dma_wait3A = arith.constant 0 : i32
      %dma_wait3A_30 = tpu.memref_slice %arg3[%run_scoped3A_13, %select_n3A_8, %dma_wait3A] : memref<2x2596x128xi32, #tpu.memory_space<hbm>> -> memref<1x84x128xi32, #tpu.memory_space<hbm>>
      %dma_wait3A_31 = tpu.memref_squeeze %dma_wait3A_30 : memref<1x84x128xi32, #tpu.memory_space<hbm>> -> memref<84x128xi32, #tpu.memory_space<hbm>>
      %dma_wait3A_32 = arith.constant 0 : i32
      %dma_wait3A_33 = tpu.memref_slice %arg3[%run_scoped3A_13, %select_n3A_8, %dma_wait3A_32] : memref<2x2596x128xi32, #tpu.memory_space<hbm>> -> memref<1x84x128xi32, #tpu.memory_space<hbm>>
      %dma_wait3A_34 = tpu.memref_squeeze %dma_wait3A_33 : memref<1x84x128xi32, #tpu.memory_space<hbm>> -> memref<84x128xi32, #tpu.memory_space<hbm>>
      tpu.wait_dma2 semaphore(%run_scoped3A_24 : memref<!tpu.dma_semaphore, #tpu.memory_space<semaphore_mem>>) src(%dma_wait3A_34 : memref<84x128xi32, #tpu.memory_space<hbm>>) dst(%arg7 : memref<84x128xi32, #tpu.memory_space<vmem>>)
      tpu.yield
    }) : () -> ()
    %barrier3A = arith.constant 0 : index
    tpu.barrier barrier_id(%barrier3A)
    %scan3A = arith.constant 0 : i32
    %scan3A_14 = arith.constant 0 : i32
    %scan3A_15 = arith.constant 84 : i32
    %scan3A_16 = arith.addi %scan3A_14, %scan3A_15 : i32
    %scan3A_17 = arith.constant 1 : i32
    scf.for %scan3A_24 = %scan3A_14 to %scan3A_16 step %scan3A_17  : i32 {
      %lt3A = arith.cmpi slt, %scan3A_24, %select_n3A : i32
      %convert_element_type3A = arith.extui %lt3A : i1 to i32
      %cond3A = arith.constant 0 : i32
      %cond3A_25 = arith.cmpi ne, %convert_element_type3A, %cond3A : i32
      scf.if %cond3A_25 {
        "tpu.region"() ({
          %run_scoped3A_26 = tpu.sem_alloc : memref<!tpu.dma_semaphore, #tpu.memory_space<semaphore_mem>>
          %dma_start3A = arith.constant 0 : i32
          %dma_start3A_27 = tpu.memref_slice %arg6[%scan3A_24, %dma_start3A] : memref<84x128xi32, #tpu.memory_space<vmem>> -> memref<1x128xi32, #tpu.memory_space<vmem>>
          %dma_start3A_28 = tpu.memref_squeeze %dma_start3A_27 : memref<1x128xi32, #tpu.memory_space<vmem>> -> memref<128xi32, #tpu.memory_space<vmem>>
          %dma_start3A_29 = arith.constant 0 : i32
          %dma_start3A_30 = arith.constant 0 : i32
          %dma_start3A_31 = tpu.memref_slice %arg2[%dma_start3A_29, %dma_start3A_30] : memref<10000x16xf32, #tpu.memory_space<hbm>> -> memref<10000x16xf32, #tpu.memory_space<hbm>>
          tpu.enqueue_indirect_dma source(%dma_start3A_31 : memref<10000x16xf32, #tpu.memory_space<hbm>>) target(%arg8 : memref<128x16xf32, #tpu.memory_space<vmem>>) offsets(%dma_start3A_28 : memref<128xi32, #tpu.memory_space<vmem>>) semaphore(%run_scoped3A_26 : memref<!tpu.dma_semaphore, #tpu.memory_space<semaphore_mem>>)
          %dma_wait3A = arith.constant 0 : i32
          %dma_wait3A_32 = tpu.memref_slice %arg6[%scan3A_24, %dma_wait3A] : memref<84x128xi32, #tpu.memory_space<vmem>> -> memref<1x128xi32, #tpu.memory_space<vmem>>
          %dma_wait3A_33 = tpu.memref_squeeze %dma_wait3A_32 : memref<1x128xi32, #tpu.memory_space<vmem>> -> memref<128xi32, #tpu.memory_space<vmem>>
          %dma_wait3A_34 = arith.constant 0 : i32
          %dma_wait3A_35 = arith.constant 0 : i32
          %dma_wait3A_36 = tpu.memref_slice %arg2[%dma_wait3A_34, %dma_wait3A_35] : memref<10000x16xf32, #tpu.memory_space<hbm>> -> memref<10000x16xf32, #tpu.memory_space<hbm>>
          tpu.wait_indirect_dma semaphore(%run_scoped3A_26 : memref<!tpu.dma_semaphore, #tpu.memory_space<semaphore_mem>>) src(%dma_wait3A_36 : memref<10000x16xf32, #tpu.memory_space<hbm>>) dst(%arg8 : memref<128x16xf32, #tpu.memory_space<vmem>>)
          tpu.yield
        }) : () -> ()
        "tpu.region"() ({
          %run_scoped3A_26 = tpu.sem_alloc : memref<!tpu.dma_semaphore, #tpu.memory_space<semaphore_mem>>
          %dma_start3A = arith.constant 0 : i32
          %dma_start3A_27 = tpu.memref_slice %arg7[%scan3A_24, %dma_start3A] : memref<84x128xi32, #tpu.memory_space<vmem>> -> memref<1x128xi32, #tpu.memory_space<vmem>>
          %dma_start3A_28 = tpu.memref_squeeze %dma_start3A_27 : memref<1x128xi32, #tpu.memory_space<vmem>> -> memref<128xi32, #tpu.memory_space<vmem>>
          %dma_start3A_29 = arith.constant 0 : i32
          %dma_start3A_30 = arith.constant 0 : i32
          %dma_start3A_31 = tpu.memref_slice %arg9[%dma_start3A_29, %dma_start3A_30] : memref<10112x16xf32, #tpu.memory_space<vmem_shared>> -> memref<10112x16xf32, #tpu.memory_space<vmem_shared>>
          tpu.enqueue_indirect_dma source(%arg8 : memref<128x16xf32, #tpu.memory_space<vmem>>) target(%dma_start3A_31 : memref<10112x16xf32, #tpu.memory_space<vmem_shared>>) offsets(%dma_start3A_28 : memref<128xi32, #tpu.memory_space<vmem>>) semaphore(%run_scoped3A_26 : memref<!tpu.dma_semaphore, #tpu.memory_space<semaphore_mem>>) {add = true}
          %dma_wait3A = arith.constant 0 : i32
          %dma_wait3A_32 = tpu.memref_slice %arg7[%scan3A_24, %dma_wait3A] : memref<84x128xi32, #tpu.memory_space<vmem>> -> memref<1x128xi32, #tpu.memory_space<vmem>>
          %dma_wait3A_33 = tpu.memref_squeeze %dma_wait3A_32 : memref<1x128xi32, #tpu.memory_space<vmem>> -> memref<128xi32, #tpu.memory_space<vmem>>
          %dma_wait3A_34 = arith.constant 0 : i32
          %dma_wait3A_35 = arith.constant 0 : i32
          %dma_wait3A_36 = tpu.memref_slice %arg9[%dma_wait3A_34, %dma_wait3A_35] : memref<10112x16xf32, #tpu.memory_space<vmem_shared>> -> memref<10112x16xf32, #tpu.memory_space<vmem_shared>>
          tpu.wait_indirect_dma semaphore(%run_scoped3A_26 : memref<!tpu.dma_semaphore, #tpu.memory_space<semaphore_mem>>) src(%arg8 : memref<128x16xf32, #tpu.memory_space<vmem>>) dst(%dma_wait3A_36 : memref<10112x16xf32, #tpu.memory_space<vmem_shared>>)
          tpu.yield
        }) : () -> ()
      } else {
      }
    }
    %scan3A_18 = arith.constant 84 : i32
    %barrier3A_19 = arith.constant 0 : index
    tpu.barrier barrier_id(%barrier3A_19)
    %mul3A_20 = arith.constant 632 : i32
    %mul3A_21 = arith.muli %arg1, %mul3A_20 : i32
    %mul3A_22 = arith.constant 632 : i32
    %mul3A_23 = arith.muli %arg1, %mul3A_22 : i32
    "tpu.region"() ({
      %run_scoped3A_24 = tpu.sem_alloc : memref<!tpu.dma_semaphore, #tpu.memory_space<semaphore_mem>>
      %dma_start3A = arith.constant 0 : i32
      %dma_start3A_25 = tpu.memref_slice %arg5[%arg0, %mul3A_23, %dma_start3A] : memref<2x10112x16xf32, #tpu.memory_space<hbm>> -> memref<1x632x16xf32, #tpu.memory_space<hbm>>
      %dma_start3A_26 = tpu.memref_squeeze %dma_start3A_25 : memref<1x632x16xf32, #tpu.memory_space<hbm>> -> memref<632x16xf32, #tpu.memory_space<hbm>>
      %dma_start3A_27 = arith.constant 0 : i32
      %dma_start3A_28 = tpu.memref_slice %arg9[%mul3A_21, %dma_start3A_27] : memref<10112x16xf32, #tpu.memory_space<vmem_shared>> -> memref<632x16xf32, #tpu.memory_space<vmem_shared>>
      tpu.enqueue_dma source(%dma_start3A_28 : memref<632x16xf32, #tpu.memory_space<vmem_shared>>) target(%dma_start3A_26 : memref<632x16xf32, #tpu.memory_space<hbm>>) target_semaphore(%run_scoped3A_24 : memref<!tpu.dma_semaphore, #tpu.memory_space<semaphore_mem>>)
      %dma_wait3A = arith.constant 0 : i32
      %dma_wait3A_29 = tpu.memref_slice %arg5[%arg0, %mul3A_23, %dma_wait3A] : memref<2x10112x16xf32, #tpu.memory_space<hbm>> -> memref<1x632x16xf32, #tpu.memory_space<hbm>>
      %dma_wait3A_30 = tpu.memref_squeeze %dma_wait3A_29 : memref<1x632x16xf32, #tpu.memory_space<hbm>> -> memref<632x16xf32, #tpu.memory_space<hbm>>
      %dma_wait3A_31 = arith.constant 0 : i32
      %dma_wait3A_32 = tpu.memref_slice %arg9[%mul3A_21, %dma_wait3A_31] : memref<10112x16xf32, #tpu.memory_space<vmem_shared>> -> memref<632x16xf32, #tpu.memory_space<vmem_shared>>
      tpu.wait_dma2 semaphore(%run_scoped3A_24 : memref<!tpu.dma_semaphore, #tpu.memory_space<semaphore_mem>>) src(%dma_wait3A_32 : memref<632x16xf32, #tpu.memory_space<vmem_shared>>) dst(%dma_wait3A_30 : memref<632x16xf32, #tpu.memory_space<hbm>>)
      tpu.yield
    }) : () -> ()
    return
  }
}

#map = affine_map<(d0, d1) -> (0, 0)>
#map1 = affine_map<(d0, d1) -> (0, 0, 0)>
module attributes {stable_mosaic.version = 14 : i64} {
  func.func @body(%arg0: i32, %arg1: i32, %arg2: memref<10000x40xf32, #tpu.memory_space<hbm>>, %arg3: memref<2x2596x128xi32, #tpu.memory_space<hbm>>, %arg4: memref<10112x40xf32, #tpu.memory_space<hbm>>, %arg5: memref<2x10112x40xf32, #tpu.memory_space<hbm>>, %arg6: memref<84x128xi32, #tpu.memory_space<vmem>>, %arg7: memref<84x128xi32, #tpu.memory_space<vmem>>, %arg8: memref<128x40xf32, #tpu.memory_space<vmem>>, %arg9: memref<10112x40xf32, #tpu.memory_space<vmem_shared>>) attributes {dimension_semantics = [#tpu.dimension_semantics<core_parallel>, #tpu.dimension_semantics<subcore_parallel>], iteration_bounds = array<i64: 2, 16>, scalar_prefetch = 0 : i64, scratch_operands = 4 : i64, tpu.core_type = #tpu.core_type<sc_vector_subcore>, window_params = [{transform_indices = #map}, {transform_indices = #map1}, {transform_indices = #map}, {transform_indices = #map1}]} {
    %eq3A = arith.constant 0 : i32
    %eq3A_0 = arith.cmpi eq, %arg0, %eq3A : i32
    %jit3A = arith.constant 84 : i32
    %jit3A_1 = arith.constant 73 : i32
    %select_n3A = arith.select %eq3A_0, %jit3A, %jit3A_1 : i32
    %eq3A_2 = arith.constant 0 : i32
    %eq3A_3 = arith.cmpi eq, %arg0, %eq3A_2 : i32
    %mul3A = arith.constant 84 : i32
    %mul3A_4 = arith.muli %arg1, %mul3A : i32
    %mul3A_5 = arith.constant 73 : i32
    %mul3A_6 = arith.muli %arg1, %mul3A_5 : i32
    %add3A = arith.constant 1344 : i32
    %add3A_7 = arith.addi %add3A, %mul3A_6 : i32
    %select_n3A_8 = arith.select %eq3A_3, %mul3A_4, %add3A_7 : i32
    %mul3A_9 = arith.constant 632 : i32
    %mul3A_10 = arith.muli %arg1, %mul3A_9 : i32
    %mul3A_11 = arith.constant 632 : i32
    %mul3A_12 = arith.muli %arg1, %mul3A_11 : i32
    "tpu.region"() ({
      %run_scoped3A_24 = tpu.sem_alloc : memref<!tpu.dma_semaphore, #tpu.memory_space<semaphore_mem>>
      %dma_start3A = arith.constant 0 : i32
      %dma_start3A_25 = tpu.memref_slice %arg9[%mul3A_12, %dma_start3A] : memref<10112x40xf32, #tpu.memory_space<vmem_shared>> -> memref<632x40xf32, #tpu.memory_space<vmem_shared>>
      %dma_start3A_26 = arith.constant 0 : i32
      %dma_start3A_27 = tpu.memref_slice %arg4[%mul3A_10, %dma_start3A_26] : memref<10112x40xf32, #tpu.memory_space<hbm>> -> memref<632x40xf32, #tpu.memory_space<hbm>>
      tpu.enqueue_dma source(%dma_start3A_27 : memref<632x40xf32, #tpu.memory_space<hbm>>) target(%dma_start3A_25 : memref<632x40xf32, #tpu.memory_space<vmem_shared>>) target_semaphore(%run_scoped3A_24 : memref<!tpu.dma_semaphore, #tpu.memory_space<semaphore_mem>>)
      %dma_wait3A = arith.constant 0 : i32
      %dma_wait3A_28 = tpu.memref_slice %arg9[%mul3A_12, %dma_wait3A] : memref<10112x40xf32, #tpu.memory_space<vmem_shared>> -> memref<632x40xf32, #tpu.memory_space<vmem_shared>>
      %dma_wait3A_29 = arith.constant 0 : i32
      %dma_wait3A_30 = tpu.memref_slice %arg4[%mul3A_10, %dma_wait3A_29] : memref<10112x40xf32, #tpu.memory_space<hbm>> -> memref<632x40xf32, #tpu.memory_space<hbm>>
      tpu.wait_dma2 semaphore(%run_scoped3A_24 : memref<!tpu.dma_semaphore, #tpu.memory_space<semaphore_mem>>) src(%dma_wait3A_30 : memref<632x40xf32, #tpu.memory_space<hbm>>) dst(%dma_wait3A_28 : memref<632x40xf32, #tpu.memory_space<vmem_shared>>)
      tpu.yield
    }) : () -> ()
    %run_scoped3A = arith.constant 0 : i32
    "tpu.region"() ({
      %run_scoped3A_24 = tpu.sem_alloc : memref<!tpu.dma_semaphore, #tpu.memory_space<semaphore_mem>>
      %dma_start3A = arith.constant 0 : i32
      %dma_start3A_25 = tpu.memref_slice %arg3[%run_scoped3A, %select_n3A_8, %dma_start3A] : memref<2x2596x128xi32, #tpu.memory_space<hbm>> -> memref<1x84x128xi32, #tpu.memory_space<hbm>>
      %dma_start3A_26 = tpu.memref_squeeze %dma_start3A_25 : memref<1x84x128xi32, #tpu.memory_space<hbm>> -> memref<84x128xi32, #tpu.memory_space<hbm>>
      %dma_start3A_27 = arith.constant 0 : i32
      %dma_start3A_28 = tpu.memref_slice %arg3[%run_scoped3A, %select_n3A_8, %dma_start3A_27] : memref<2x2596x128xi32, #tpu.memory_space<hbm>> -> memref<1x84x128xi32, #tpu.memory_space<hbm>>
      %dma_start3A_29 = tpu.memref_squeeze %dma_start3A_28 : memref<1x84x128xi32, #tpu.memory_space<hbm>> -> memref<84x128xi32, #tpu.memory_space<hbm>>
      tpu.enqueue_dma source(%dma_start3A_29 : memref<84x128xi32, #tpu.memory_space<hbm>>) target(%arg6 : memref<84x128xi32, #tpu.memory_space<vmem>>) target_semaphore(%run_scoped3A_24 : memref<!tpu.dma_semaphore, #tpu.memory_space<semaphore_mem>>)
      %dma_wait3A = arith.constant 0 : i32
      %dma_wait3A_30 = tpu.memref_slice %arg3[%run_scoped3A, %select_n3A_8, %dma_wait3A] : memref<2x2596x128xi32, #tpu.memory_space<hbm>> -> memref<1x84x128xi32, #tpu.memory_space<hbm>>
      %dma_wait3A_31 = tpu.memref_squeeze %dma_wait3A_30 : memref<1x84x128xi32, #tpu.memory_space<hbm>> -> memref<84x128xi32, #tpu.memory_space<hbm>>
      %dma_wait3A_32 = arith.constant 0 : i32
      %dma_wait3A_33 = tpu.memref_slice %arg3[%run_scoped3A, %select_n3A_8, %dma_wait3A_32] : memref<2x2596x128xi32, #tpu.memory_space<hbm>> -> memref<1x84x128xi32, #tpu.memory_space<hbm>>
      %dma_wait3A_34 = tpu.memref_squeeze %dma_wait3A_33 : memref<1x84x128xi32, #tpu.memory_space<hbm>> -> memref<84x128xi32, #tpu.memory_space<hbm>>
      tpu.wait_dma2 semaphore(%run_scoped3A_24 : memref<!tpu.dma_semaphore, #tpu.memory_space<semaphore_mem>>) src(%dma_wait3A_34 : memref<84x128xi32, #tpu.memory_space<hbm>>) dst(%arg6 : memref<84x128xi32, #tpu.memory_space<vmem>>)
      tpu.yield
    }) : () -> ()
    %run_scoped3A_13 = arith.constant 1 : i32
    "tpu.region"() ({
      %run_scoped3A_24 = tpu.sem_alloc : memref<!tpu.dma_semaphore, #tpu.memory_space<semaphore_mem>>
      %dma_start3A = arith.constant 0 : i32
      %dma_start3A_25 = tpu.memref_slice %arg3[%run_scoped3A_13, %select_n3A_8, %dma_start3A] : memref<2x2596x128xi32, #tpu.memory_space<hbm>> -> memref<1x84x128xi32, #tpu.memory_space<hbm>>
      %dma_start3A_26 = tpu.memref_squeeze %dma_start3A_25 : memref<1x84x128xi32, #tpu.memory_space<hbm>> -> memref<84x128xi32, #tpu.memory_space<hbm>>
      %dma_start3A_27 = arith.constant 0 : i32
      %dma_start3A_28 = tpu.memref_slice %arg3[%run_scoped3A_13, %select_n3A_8, %dma_start3A_27] : memref<2x2596x128xi32, #tpu.memory_space<hbm>> -> memref<1x84x128xi32, #tpu.memory_space<hbm>>
      %dma_start3A_29 = tpu.memref_squeeze %dma_start3A_28 : memref<1x84x128xi32, #tpu.memory_space<hbm>> -> memref<84x128xi32, #tpu.memory_space<hbm>>
      tpu.enqueue_dma source(%dma_start3A_29 : memref<84x128xi32, #tpu.memory_space<hbm>>) target(%arg7 : memref<84x128xi32, #tpu.memory_space<vmem>>) target_semaphore(%run_scoped3A_24 : memref<!tpu.dma_semaphore, #tpu.memory_space<semaphore_mem>>)
      %dma_wait3A = arith.constant 0 : i32
      %dma_wait3A_30 = tpu.memref_slice %arg3[%run_scoped3A_13, %select_n3A_8, %dma_wait3A] : memref<2x2596x128xi32, #tpu.memory_space<hbm>> -> memref<1x84x128xi32, #tpu.memory_space<hbm>>
      %dma_wait3A_31 = tpu.memref_squeeze %dma_wait3A_30 : memref<1x84x128xi32, #tpu.memory_space<hbm>> -> memref<84x128xi32, #tpu.memory_space<hbm>>
      %dma_wait3A_32 = arith.constant 0 : i32
      %dma_wait3A_33 = tpu.memref_slice %arg3[%run_scoped3A_13, %select_n3A_8, %dma_wait3A_32] : memref<2x2596x128xi32, #tpu.memory_space<hbm>> -> memref<1x84x128xi32, #tpu.memory_space<hbm>>
      %dma_wait3A_34 = tpu.memref_squeeze %dma_wait3A_33 : memref<1x84x128xi32, #tpu.memory_space<hbm>> -> memref<84x128xi32, #tpu.memory_space<hbm>>
      tpu.wait_dma2 semaphore(%run_scoped3A_24 : memref<!tpu.dma_semaphore, #tpu.memory_space<semaphore_mem>>) src(%dma_wait3A_34 : memref<84x128xi32, #tpu.memory_space<hbm>>) dst(%arg7 : memref<84x128xi32, #tpu.memory_space<vmem>>)
      tpu.yield
    }) : () -> ()
    %barrier3A = arith.constant 0 : index
    tpu.barrier barrier_id(%barrier3A)
    %scan3A = arith.constant 0 : i32
    %scan3A_14 = arith.constant 0 : i32
    %scan3A_15 = arith.constant 84 : i32
    %scan3A_16 = arith.addi %scan3A_14, %scan3A_15 : i32
    %scan3A_17 = arith.constant 1 : i32
    scf.for %scan3A_24 = %scan3A_14 to %scan3A_16 step %scan3A_17  : i32 {
      %lt3A = arith.cmpi slt, %scan3A_24, %select_n3A : i32
      %convert_element_type3A = arith.extui %lt3A : i1 to i32
      %cond3A = arith.constant 0 : i32
      %cond3A_25 = arith.cmpi ne, %convert_element_type3A, %cond3A : i32
      scf.if %cond3A_25 {
        "tpu.region"() ({
          %run_scoped3A_26 = tpu.sem_alloc : memref<!tpu.dma_semaphore, #tpu.memory_space<semaphore_mem>>
          %dma_start3A = arith.constant 0 : i32
          %dma_start3A_27 = tpu.memref_slice %arg6[%scan3A_24, %dma_start3A] : memref<84x128xi32, #tpu.memory_space<vmem>> -> memref<1x128xi32, #tpu.memory_space<vmem>>
          %dma_start3A_28 = tpu.memref_squeeze %dma_start3A_27 : memref<1x128xi32, #tpu.memory_space<vmem>> -> memref<128xi32, #tpu.memory_space<vmem>>
          %dma_start3A_29 = arith.constant 0 : i32
          %dma_start3A_30 = arith.constant 0 : i32
          %dma_start3A_31 = tpu.memref_slice %arg2[%dma_start3A_29, %dma_start3A_30] : memref<10000x40xf32, #tpu.memory_space<hbm>> -> memref<10000x40xf32, #tpu.memory_space<hbm>>
          tpu.enqueue_indirect_dma source(%dma_start3A_31 : memref<10000x40xf32, #tpu.memory_space<hbm>>) target(%arg8 : memref<128x40xf32, #tpu.memory_space<vmem>>) offsets(%dma_start3A_28 : memref<128xi32, #tpu.memory_space<vmem>>) semaphore(%run_scoped3A_26 : memref<!tpu.dma_semaphore, #tpu.memory_space<semaphore_mem>>)
          %dma_wait3A = arith.constant 0 : i32
          %dma_wait3A_32 = tpu.memref_slice %arg6[%scan3A_24, %dma_wait3A] : memref<84x128xi32, #tpu.memory_space<vmem>> -> memref<1x128xi32, #tpu.memory_space<vmem>>
          %dma_wait3A_33 = tpu.memref_squeeze %dma_wait3A_32 : memref<1x128xi32, #tpu.memory_space<vmem>> -> memref<128xi32, #tpu.memory_space<vmem>>
          %dma_wait3A_34 = arith.constant 0 : i32
          %dma_wait3A_35 = arith.constant 0 : i32
          %dma_wait3A_36 = tpu.memref_slice %arg2[%dma_wait3A_34, %dma_wait3A_35] : memref<10000x40xf32, #tpu.memory_space<hbm>> -> memref<10000x40xf32, #tpu.memory_space<hbm>>
          tpu.wait_indirect_dma semaphore(%run_scoped3A_26 : memref<!tpu.dma_semaphore, #tpu.memory_space<semaphore_mem>>) src(%dma_wait3A_36 : memref<10000x40xf32, #tpu.memory_space<hbm>>) dst(%arg8 : memref<128x40xf32, #tpu.memory_space<vmem>>)
          tpu.yield
        }) : () -> ()
        "tpu.region"() ({
          %run_scoped3A_26 = tpu.sem_alloc : memref<!tpu.dma_semaphore, #tpu.memory_space<semaphore_mem>>
          %dma_start3A = arith.constant 0 : i32
          %dma_start3A_27 = tpu.memref_slice %arg7[%scan3A_24, %dma_start3A] : memref<84x128xi32, #tpu.memory_space<vmem>> -> memref<1x128xi32, #tpu.memory_space<vmem>>
          %dma_start3A_28 = tpu.memref_squeeze %dma_start3A_27 : memref<1x128xi32, #tpu.memory_space<vmem>> -> memref<128xi32, #tpu.memory_space<vmem>>
          %dma_start3A_29 = arith.constant 0 : i32
          %dma_start3A_30 = arith.constant 0 : i32
          %dma_start3A_31 = tpu.memref_slice %arg9[%dma_start3A_29, %dma_start3A_30] : memref<10112x40xf32, #tpu.memory_space<vmem_shared>> -> memref<10112x40xf32, #tpu.memory_space<vmem_shared>>
          tpu.enqueue_indirect_dma source(%arg8 : memref<128x40xf32, #tpu.memory_space<vmem>>) target(%dma_start3A_31 : memref<10112x40xf32, #tpu.memory_space<vmem_shared>>) offsets(%dma_start3A_28 : memref<128xi32, #tpu.memory_space<vmem>>) semaphore(%run_scoped3A_26 : memref<!tpu.dma_semaphore, #tpu.memory_space<semaphore_mem>>) {add = true}
          %dma_wait3A = arith.constant 0 : i32
          %dma_wait3A_32 = tpu.memref_slice %arg7[%scan3A_24, %dma_wait3A] : memref<84x128xi32, #tpu.memory_space<vmem>> -> memref<1x128xi32, #tpu.memory_space<vmem>>
          %dma_wait3A_33 = tpu.memref_squeeze %dma_wait3A_32 : memref<1x128xi32, #tpu.memory_space<vmem>> -> memref<128xi32, #tpu.memory_space<vmem>>
          %dma_wait3A_34 = arith.constant 0 : i32
          %dma_wait3A_35 = arith.constant 0 : i32
          %dma_wait3A_36 = tpu.memref_slice %arg9[%dma_wait3A_34, %dma_wait3A_35] : memref<10112x40xf32, #tpu.memory_space<vmem_shared>> -> memref<10112x40xf32, #tpu.memory_space<vmem_shared>>
          tpu.wait_indirect_dma semaphore(%run_scoped3A_26 : memref<!tpu.dma_semaphore, #tpu.memory_space<semaphore_mem>>) src(%arg8 : memref<128x40xf32, #tpu.memory_space<vmem>>) dst(%dma_wait3A_36 : memref<10112x40xf32, #tpu.memory_space<vmem_shared>>)
          tpu.yield
        }) : () -> ()
      } else {
      }
    }
    %scan3A_18 = arith.constant 84 : i32
    %barrier3A_19 = arith.constant 0 : index
    tpu.barrier barrier_id(%barrier3A_19)
    %mul3A_20 = arith.constant 632 : i32
    %mul3A_21 = arith.muli %arg1, %mul3A_20 : i32
    %mul3A_22 = arith.constant 632 : i32
    %mul3A_23 = arith.muli %arg1, %mul3A_22 : i32
    "tpu.region"() ({
      %run_scoped3A_24 = tpu.sem_alloc : memref<!tpu.dma_semaphore, #tpu.memory_space<semaphore_mem>>
      %dma_start3A = arith.constant 0 : i32
      %dma_start3A_25 = tpu.memref_slice %arg5[%arg0, %mul3A_23, %dma_start3A] : memref<2x10112x40xf32, #tpu.memory_space<hbm>> -> memref<1x632x40xf32, #tpu.memory_space<hbm>>
      %dma_start3A_26 = tpu.memref_squeeze %dma_start3A_25 : memref<1x632x40xf32, #tpu.memory_space<hbm>> -> memref<632x40xf32, #tpu.memory_space<hbm>>
      %dma_start3A_27 = arith.constant 0 : i32
      %dma_start3A_28 = tpu.memref_slice %arg9[%mul3A_21, %dma_start3A_27] : memref<10112x40xf32, #tpu.memory_space<vmem_shared>> -> memref<632x40xf32, #tpu.memory_space<vmem_shared>>
      tpu.enqueue_dma source(%dma_start3A_28 : memref<632x40xf32, #tpu.memory_space<vmem_shared>>) target(%dma_start3A_26 : memref<632x40xf32, #tpu.memory_space<hbm>>) target_semaphore(%run_scoped3A_24 : memref<!tpu.dma_semaphore, #tpu.memory_space<semaphore_mem>>)
      %dma_wait3A = arith.constant 0 : i32
      %dma_wait3A_29 = tpu.memref_slice %arg5[%arg0, %mul3A_23, %dma_wait3A] : memref<2x10112x40xf32, #tpu.memory_space<hbm>> -> memref<1x632x40xf32, #tpu.memory_space<hbm>>
      %dma_wait3A_30 = tpu.memref_squeeze %dma_wait3A_29 : memref<1x632x40xf32, #tpu.memory_space<hbm>> -> memref<632x40xf32, #tpu.memory_space<hbm>>
      %dma_wait3A_31 = arith.constant 0 : i32
      %dma_wait3A_32 = tpu.memref_slice %arg9[%mul3A_21, %dma_wait3A_31] : memref<10112x40xf32, #tpu.memory_space<vmem_shared>> -> memref<632x40xf32, #tpu.memory_space<vmem_shared>>
      tpu.wait_dma2 semaphore(%run_scoped3A_24 : memref<!tpu.dma_semaphore, #tpu.memory_space<semaphore_mem>>) src(%dma_wait3A_32 : memref<632x40xf32, #tpu.memory_space<vmem_shared>>) dst(%dma_wait3A_30 : memref<632x40xf32, #tpu.memory_space<hbm>>)
      tpu.yield
    }) : () -> ()
    return
  }
}

module attributes {stable_mosaic.version = 14 : i64} {
  func.func @_mm_body(%arg0: i32, %arg1: memref<2000x128xf32, #tpu.memory_space<vmem>>, %arg2: memref<128x16xf32, #tpu.memory_space<vmem>>, %arg3: memref<2000x16xf32, #tpu.memory_space<vmem>>) attributes {dimension_semantics = [#tpu.dimension_semantics<arbitrary>], iteration_bounds = array<i64: 5>, scalar_prefetch = 0 : i64, scratch_operands = 0 : i64, tpu.core_type = #tpu.core_type<tc>, window_params = [{transform_indices = @transform_0, window_bounds = array<i64: 2000, 128>}, {pipeline_mode = #tpu.pipeline_mode<synchronous>, transform_indices = @transform_1, window_bounds = array<i64: 128, 16>}, {transform_indices = @transform_2, window_bounds = array<i64: 2000, 16>}]} {
    %get3A = arith.constant 0 : index
    %get3A_0 = arith.constant 0 : index
    %get3A_1 = vector.load %arg1[%get3A, %get3A_0] : memref<2000x128xf32, #tpu.memory_space<vmem>>, vector<2000x128xf32>
    %get3A_2 = arith.constant 0 : index
    %get3A_3 = arith.constant 0 : index
    %get3A_4 = vector.load %arg2[%get3A_2, %get3A_3] : memref<128x16xf32, #tpu.memory_space<vmem>>, vector<128x16xf32>
    %dot_general3A = arith.constant dense<0.000000e+00> : vector<2000x16xf32>
    %dot_general3A_5 = tpu.matmul %get3A_1, %get3A_4, %dot_general3A {dimension_numbers = #tpu.dot_dimension_numbers<[1], [0], [0], [1], [0, 0, 1, 1], [], []>, transpose_lhs_hint = false} : vector<2000x128xf32>, vector<128x16xf32>, vector<2000x16xf32> -> vector<2000x16xf32>
    %swap3A = arith.constant 0 : index
    %swap3A_6 = arith.constant 0 : index
    %swap3A_7 = vector.load %arg3[%swap3A, %swap3A_6] : memref<2000x16xf32, #tpu.memory_space<vmem>>, vector<2000x16xf32>
    tpu.vector_store %arg3[%swap3A, %swap3A_6], %dot_general3A_5 {strides = array<i32>} : memref<2000x16xf32, #tpu.memory_space<vmem>>, vector<2000x16xf32>,
    return
  }
  func.func @transform_0(%arg0: i32) -> (i32, i32) {
    %c0_i32 = arith.constant 0 : i32
    %c0_i32_0 = arith.constant 0 : i32
    return %arg0, %c0_i32 : i32, i32
  }
  func.func @transform_1(%arg0: i32) -> (i32, i32) {
    %c0_i32 = arith.constant 0 : i32
    %c0_i32_0 = arith.constant 0 : i32
    %c0_i32_1 = arith.constant 0 : i32
    return %c0_i32, %c0_i32_0 : i32, i32
  }
  func.func @transform_2(%arg0: i32) -> (i32, i32) {
    %c0_i32 = arith.constant 0 : i32
    %c0_i32_0 = arith.constant 0 : i32
    return %arg0, %c0_i32 : i32, i32
  }
}

module attributes {stable_mosaic.version = 14 : i64} {
  func.func @_tc1_body(%arg0: i32, %arg1: memref<2000x16xf32, #tpu.memory_space<vmem>>, %arg2: memref<2000x8xf32, #tpu.memory_space<vmem>>, %arg3: memref<2000x8xf32, #tpu.memory_space<vmem>>, %arg4: memref<2000x16xf32, #tpu.memory_space<vmem>>) attributes {dimension_semantics = [#tpu.dimension_semantics<arbitrary>], iteration_bounds = array<i64: 5>, scalar_prefetch = 0 : i64, scratch_operands = 0 : i64, tpu.core_type = #tpu.core_type<tc>, window_params = [{transform_indices = @transform_0, window_bounds = array<i64: 2000, 16>}, {transform_indices = @transform_1, window_bounds = array<i64: 2000, 8>}, {transform_indices = @transform_2, window_bounds = array<i64: 2000, 8>}, {transform_indices = @transform_3, window_bounds = array<i64: 2000, 16>}]} {
    %get3A = arith.constant 0 : index
    %get3A_0 = arith.constant 0 : index
    %get3A_1 = vector.load %arg1[%get3A, %get3A_0] : memref<2000x16xf32, #tpu.memory_space<vmem>>, vector<2000x16xf32>
    %get3A_2 = arith.constant 0 : index
    %get3A_3 = arith.constant 0 : index
    %get3A_4 = vector.load %arg2[%get3A_2, %get3A_3] : memref<2000x8xf32, #tpu.memory_space<vmem>>, vector<2000x1xf32>
    %get3A_5 = arith.constant 0 : index
    %get3A_6 = arith.constant 0 : index
    %get3A_7 = vector.load %arg3[%get3A_5, %get3A_6] : memref<2000x8xf32, #tpu.memory_space<vmem>>, vector<2000x1xf32>
    %add3A = arith.addf %get3A_4, %get3A_7 : vector<2000x1xf32>
    %add3A_8 = arith.constant 1.000000e+00 : f32
    %add3A_9 = vector.broadcast %add3A_8 : f32 to vector<2000x1xf32>
    %add3A_10 = arith.addf %add3A, %add3A_9 : vector<2000x1xf32>
    %max3A = arith.constant 1.000000e+00 : f32
    %max3A_11 = vector.broadcast %max3A : f32 to vector<2000x1xf32>
    %max3A_12 = arith.maximumf %add3A_10, %max3A_11 : vector<2000x1xf32>
    %rsqrt3A = math.rsqrt %max3A_12 : vector<2000x1xf32>
    %mul3A = vector.broadcast %rsqrt3A : vector<2000x1xf32> to vector<2000x16xf32>
    %mul3A_13 = arith.mulf %get3A_1, %mul3A : vector<2000x16xf32>
    %swap3A = arith.constant 0 : index
    %swap3A_14 = arith.constant 0 : index
    %swap3A_15 = vector.load %arg4[%swap3A, %swap3A_14] : memref<2000x16xf32, #tpu.memory_space<vmem>>, vector<2000x16xf32>
    tpu.vector_store %arg4[%swap3A, %swap3A_14], %mul3A_13 {strides = array<i32>} : memref<2000x16xf32, #tpu.memory_space<vmem>>, vector<2000x16xf32>,
    return
  }
  func.func @transform_0(%arg0: i32) -> (i32, i32) {
    %c0_i32 = arith.constant 0 : i32
    %c0_i32_0 = arith.constant 0 : i32
    return %arg0, %c0_i32 : i32, i32
  }
  func.func @transform_1(%arg0: i32) -> (i32, i32) {
    %c0_i32 = arith.constant 0 : i32
    %c0_i32_0 = arith.constant 0 : i32
    return %arg0, %c0_i32 : i32, i32
  }
  func.func @transform_2(%arg0: i32) -> (i32, i32) {
    %c0_i32 = arith.constant 0 : i32
    %c0_i32_0 = arith.constant 0 : i32
    return %arg0, %c0_i32 : i32, i32
  }
  func.func @transform_3(%arg0: i32) -> (i32, i32) {
    %c0_i32 = arith.constant 0 : i32
    %c0_i32_0 = arith.constant 0 : i32
    return %arg0, %c0_i32 : i32, i32
  }
}

module attributes {stable_mosaic.version = 14 : i64} {
  func.func @_tc2_body(%arg0: i32, %arg1: memref<2000x16xf32, #tpu.memory_space<vmem>>, %arg2: memref<2000x16xf32, #tpu.memory_space<vmem>>, %arg3: memref<2000x16xf32, #tpu.memory_space<vmem>>, %arg4: memref<2000x8xf32, #tpu.memory_space<vmem>>, %arg5: memref<2000x8xf32, #tpu.memory_space<vmem>>, %arg6: memref<1x16xf32, #tpu.memory_space<vmem>>, %arg7: memref<16x40xf32, #tpu.memory_space<vmem>>, %arg8: memref<2000x40xf32, #tpu.memory_space<vmem>>) attributes {dimension_semantics = [#tpu.dimension_semantics<arbitrary>], iteration_bounds = array<i64: 5>, scalar_prefetch = 0 : i64, scratch_operands = 0 : i64, tpu.core_type = #tpu.core_type<tc>, window_params = [{transform_indices = @transform_0, window_bounds = array<i64: 2000, 16>}, {transform_indices = @transform_1, window_bounds = array<i64: 2000, 16>}, {transform_indices = @transform_2, window_bounds = array<i64: 2000, 16>}, {transform_indices = @transform_3, window_bounds = array<i64: 2000, 8>}, {transform_indices = @transform_4, window_bounds = array<i64: 2000, 8>}, {pipeline_mode = #tpu.pipeline_mode<synchronous>, transform_indices = @transform_5, window_bounds = array<i64: 1, 16>}, {pipeline_mode = #tpu.pipeline_mode<synchronous>, transform_indices = @transform_6, window_bounds = array<i64: 16, 40>}, {transform_indices = @transform_7, window_bounds = array<i64: 2000, 40>}]} {
    %get3A = arith.constant 0 : index
    %get3A_0 = arith.constant 0 : index
    %get3A_1 = vector.load %arg4[%get3A, %get3A_0] : memref<2000x8xf32, #tpu.memory_space<vmem>>, vector<2000x1xf32>
    %get3A_2 = arith.constant 0 : index
    %get3A_3 = arith.constant 0 : index
    %get3A_4 = vector.load %arg5[%get3A_2, %get3A_3] : memref<2000x8xf32, #tpu.memory_space<vmem>>, vector<2000x1xf32>
    %add3A = arith.addf %get3A_1, %get3A_4 : vector<2000x1xf32>
    %add3A_5 = arith.constant 1.000000e+00 : f32
    %add3A_6 = vector.broadcast %add3A_5 : f32 to vector<2000x1xf32>
    %add3A_7 = arith.addf %add3A, %add3A_6 : vector<2000x1xf32>
    %max3A = arith.constant 1.000000e+00 : f32
    %max3A_8 = vector.broadcast %max3A : f32 to vector<2000x1xf32>
    %max3A_9 = arith.maximumf %add3A_7, %max3A_8 : vector<2000x1xf32>
    %rsqrt3A = math.rsqrt %max3A_9 : vector<2000x1xf32>
    %get3A_10 = arith.constant 0 : index
    %get3A_11 = arith.constant 0 : index
    %get3A_12 = vector.load %arg1[%get3A_10, %get3A_11] : memref<2000x16xf32, #tpu.memory_space<vmem>>, vector<2000x16xf32>
    %get3A_13 = arith.constant 0 : index
    %get3A_14 = arith.constant 0 : index
    %get3A_15 = vector.load %arg2[%get3A_13, %get3A_14] : memref<2000x16xf32, #tpu.memory_space<vmem>>, vector<2000x16xf32>
    %add3A_16 = arith.addf %get3A_12, %get3A_15 : vector<2000x16xf32>
    %get3A_17 = arith.constant 0 : index
    %get3A_18 = arith.constant 0 : index
    %get3A_19 = vector.load %arg3[%get3A_17, %get3A_18] : memref<2000x16xf32, #tpu.memory_space<vmem>>, vector<2000x16xf32>
    %add3A_20 = arith.addf %add3A_16, %get3A_19 : vector<2000x16xf32>
    %mul3A = vector.broadcast %rsqrt3A : vector<2000x1xf32> to vector<2000x16xf32>
    %mul3A_21 = arith.mulf %mul3A, %add3A_20 : vector<2000x16xf32>
    %get3A_22 = arith.constant 0 : index
    %get3A_23 = arith.constant 0 : index
    %get3A_24 = vector.load %arg6[%get3A_22, %get3A_23] : memref<1x16xf32, #tpu.memory_space<vmem>>, vector<1x16xf32>
    %add3A_25 = vector.broadcast %get3A_24 : vector<1x16xf32> to vector<2000x16xf32>
    %add3A_26 = arith.addf %mul3A_21, %add3A_25 : vector<2000x16xf32>
    %max3A_27 = arith.constant 0.000000e+00 : f32
    %max3A_28 = vector.broadcast %max3A_27 : f32 to vector<2000x16xf32>
    %max3A_29 = arith.maximumf %add3A_26, %max3A_28 : vector<2000x16xf32>
    %get3A_30 = arith.constant 0 : index
    %get3A_31 = arith.constant 0 : index
    %get3A_32 = vector.load %arg7[%get3A_30, %get3A_31] : memref<16x40xf32, #tpu.memory_space<vmem>>, vector<16x40xf32>
    %dot_general3A = arith.constant dense<0.000000e+00> : vector<2000x40xf32>
    %dot_general3A_33 = tpu.matmul %max3A_29, %get3A_32, %dot_general3A {dimension_numbers = #tpu.dot_dimension_numbers<[1], [0], [0], [1], [0, 0, 1, 1], [], []>, transpose_lhs_hint = false} : vector<2000x16xf32>, vector<16x40xf32>, vector<2000x40xf32> -> vector<2000x40xf32>
    %mul3A_34 = vector.broadcast %rsqrt3A : vector<2000x1xf32> to vector<2000x40xf32>
    %mul3A_35 = arith.mulf %dot_general3A_33, %mul3A_34 : vector<2000x40xf32>
    %swap3A = arith.constant 0 : index
    %swap3A_36 = arith.constant 0 : index
    %swap3A_37 = vector.load %arg8[%swap3A, %swap3A_36] : memref<2000x40xf32, #tpu.memory_space<vmem>>, vector<2000x40xf32>
    tpu.vector_store %arg8[%swap3A, %swap3A_36], %mul3A_35 {strides = array<i32>} : memref<2000x40xf32, #tpu.memory_space<vmem>>, vector<2000x40xf32>,
    return
  }
  func.func @transform_0(%arg0: i32) -> (i32, i32) {
    %c0_i32 = arith.constant 0 : i32
    %c0_i32_0 = arith.constant 0 : i32
    return %arg0, %c0_i32 : i32, i32
  }
  func.func @transform_1(%arg0: i32) -> (i32, i32) {
    %c0_i32 = arith.constant 0 : i32
    %c0_i32_0 = arith.constant 0 : i32
    return %arg0, %c0_i32 : i32, i32
  }
  func.func @transform_2(%arg0: i32) -> (i32, i32) {
    %c0_i32 = arith.constant 0 : i32
    %c0_i32_0 = arith.constant 0 : i32
    return %arg0, %c0_i32 : i32, i32
  }
  func.func @transform_3(%arg0: i32) -> (i32, i32) {
    %c0_i32 = arith.constant 0 : i32
    %c0_i32_0 = arith.constant 0 : i32
    return %arg0, %c0_i32 : i32, i32
  }
  func.func @transform_4(%arg0: i32) -> (i32, i32) {
    %c0_i32 = arith.constant 0 : i32
    %c0_i32_0 = arith.constant 0 : i32
    return %arg0, %c0_i32 : i32, i32
  }
  func.func @transform_5(%arg0: i32) -> (i32, i32) {
    %c0_i32 = arith.constant 0 : i32
    %c0_i32_0 = arith.constant 0 : i32
    %c0_i32_1 = arith.constant 0 : i32
    return %c0_i32, %c0_i32_0 : i32, i32
  }
  func.func @transform_6(%arg0: i32) -> (i32, i32) {
    %c0_i32 = arith.constant 0 : i32
    %c0_i32_0 = arith.constant 0 : i32
    %c0_i32_1 = arith.constant 0 : i32
    return %c0_i32, %c0_i32_0 : i32, i32
  }
  func.func @transform_7(%arg0: i32) -> (i32, i32) {
    %c0_i32 = arith.constant 0 : i32
    %c0_i32_0 = arith.constant 0 : i32
    return %arg0, %c0_i32 : i32, i32
  }
}

module attributes {stable_mosaic.version = 14 : i64} {
  func.func @_tc3_body(%arg0: i32, %arg1: memref<2000x40xf32, #tpu.memory_space<vmem>>, %arg2: memref<2000x40xf32, #tpu.memory_space<vmem>>, %arg3: memref<2000x40xf32, #tpu.memory_space<vmem>>, %arg4: memref<2000x8xf32, #tpu.memory_space<vmem>>, %arg5: memref<2000x8xf32, #tpu.memory_space<vmem>>, %arg6: memref<1x40xf32, #tpu.memory_space<vmem>>, %arg7: memref<2000x40xf32, #tpu.memory_space<vmem>>) attributes {dimension_semantics = [#tpu.dimension_semantics<arbitrary>], iteration_bounds = array<i64: 5>, scalar_prefetch = 0 : i64, scratch_operands = 0 : i64, tpu.core_type = #tpu.core_type<tc>, window_params = [{transform_indices = @transform_0, window_bounds = array<i64: 2000, 40>}, {transform_indices = @transform_1, window_bounds = array<i64: 2000, 40>}, {transform_indices = @transform_2, window_bounds = array<i64: 2000, 40>}, {transform_indices = @transform_3, window_bounds = array<i64: 2000, 8>}, {transform_indices = @transform_4, window_bounds = array<i64: 2000, 8>}, {pipeline_mode = #tpu.pipeline_mode<synchronous>, transform_indices = @transform_5, window_bounds = array<i64: 1, 40>}, {transform_indices = @transform_6, window_bounds = array<i64: 2000, 40>}]} {
    %get3A = arith.constant 0 : index
    %get3A_0 = arith.constant 0 : index
    %get3A_1 = vector.load %arg4[%get3A, %get3A_0] : memref<2000x8xf32, #tpu.memory_space<vmem>>, vector<2000x1xf32>
    %get3A_2 = arith.constant 0 : index
    %get3A_3 = arith.constant 0 : index
    %get3A_4 = vector.load %arg5[%get3A_2, %get3A_3] : memref<2000x8xf32, #tpu.memory_space<vmem>>, vector<2000x1xf32>
    %add3A = arith.addf %get3A_1, %get3A_4 : vector<2000x1xf32>
    %add3A_5 = arith.constant 1.000000e+00 : f32
    %add3A_6 = vector.broadcast %add3A_5 : f32 to vector<2000x1xf32>
    %add3A_7 = arith.addf %add3A, %add3A_6 : vector<2000x1xf32>
    %max3A = arith.constant 1.000000e+00 : f32
    %max3A_8 = vector.broadcast %max3A : f32 to vector<2000x1xf32>
    %max3A_9 = arith.maximumf %add3A_7, %max3A_8 : vector<2000x1xf32>
    %rsqrt3A = math.rsqrt %max3A_9 : vector<2000x1xf32>
    %get3A_10 = arith.constant 0 : index
    %get3A_11 = arith.constant 0 : index
    %get3A_12 = vector.load %arg1[%get3A_10, %get3A_11] : memref<2000x40xf32, #tpu.memory_space<vmem>>, vector<2000x40xf32>
    %get3A_13 = arith.constant 0 : index
    %get3A_14 = arith.constant 0 : index
    %get3A_15 = vector.load %arg2[%get3A_13, %get3A_14] : memref<2000x40xf32, #tpu.memory_space<vmem>>, vector<2000x40xf32>
    %add3A_16 = arith.addf %get3A_12, %get3A_15 : vector<2000x40xf32>
    %get3A_17 = arith.constant 0 : index
    %get3A_18 = arith.constant 0 : index
    %get3A_19 = vector.load %arg3[%get3A_17, %get3A_18] : memref<2000x40xf32, #tpu.memory_space<vmem>>, vector<2000x40xf32>
    %add3A_20 = arith.addf %add3A_16, %get3A_19 : vector<2000x40xf32>
    %mul3A = vector.broadcast %rsqrt3A : vector<2000x1xf32> to vector<2000x40xf32>
    %mul3A_21 = arith.mulf %mul3A, %add3A_20 : vector<2000x40xf32>
    %get3A_22 = arith.constant 0 : index
    %get3A_23 = arith.constant 0 : index
    %get3A_24 = vector.load %arg6[%get3A_22, %get3A_23] : memref<1x40xf32, #tpu.memory_space<vmem>>, vector<1x40xf32>
    %add3A_25 = vector.broadcast %get3A_24 : vector<1x40xf32> to vector<2000x40xf32>
    %add3A_26 = arith.addf %mul3A_21, %add3A_25 : vector<2000x40xf32>
    %reduce_max3A = arith.constant dense<0xFF800000> : vector<2000xf32>
    %reduce_max3A_27 = vector.multi_reduction <maximumf>, %add3A_26, %reduce_max3A [1] : vector<2000x40xf32> to vector<2000xf32>
    %broadcast_in_dim3A = vector.shape_cast %reduce_max3A_27 : vector<2000xf32> to vector<2000x1xf32>
    %sub3A = vector.broadcast %broadcast_in_dim3A : vector<2000x1xf32> to vector<2000x40xf32>
    %sub3A_28 = arith.subf %add3A_26, %sub3A : vector<2000x40xf32>
    %exp3A = math.exp %sub3A_28 : vector<2000x40xf32>
    %reduce_sum3A = arith.constant dense<0.000000e+00> : vector<2000xf32>
    %reduce_sum3A_29 = vector.multi_reduction <add>, %exp3A, %reduce_sum3A [1] : vector<2000x40xf32> to vector<2000xf32>
    %broadcast_in_dim3A_30 = vector.shape_cast %reduce_sum3A_29 : vector<2000xf32> to vector<2000x1xf32>
    %log3A = math.log %broadcast_in_dim3A_30 : vector<2000x1xf32>
    %add3A_31 = arith.addf %broadcast_in_dim3A, %log3A : vector<2000x1xf32>
    %sub3A_32 = vector.broadcast %add3A_31 : vector<2000x1xf32> to vector<2000x40xf32>
    %sub3A_33 = arith.subf %add3A_26, %sub3A_32 : vector<2000x40xf32>
    %swap3A = arith.constant 0 : index
    %swap3A_34 = arith.constant 0 : index
    %swap3A_35 = vector.load %arg7[%swap3A, %swap3A_34] : memref<2000x40xf32, #tpu.memory_space<vmem>>, vector<2000x40xf32>
    tpu.vector_store %arg7[%swap3A, %swap3A_34], %sub3A_33 {strides = array<i32>} : memref<2000x40xf32, #tpu.memory_space<vmem>>, vector<2000x40xf32>,
    return
  }
  func.func @transform_0(%arg0: i32) -> (i32, i32) {
    %c0_i32 = arith.constant 0 : i32
    %c0_i32_0 = arith.constant 0 : i32
    return %arg0, %c0_i32 : i32, i32
  }
  func.func @transform_1(%arg0: i32) -> (i32, i32) {
    %c0_i32 = arith.constant 0 : i32
    %c0_i32_0 = arith.constant 0 : i32
    return %arg0, %c0_i32 : i32, i32
  }
  func.func @transform_2(%arg0: i32) -> (i32, i32) {
    %c0_i32 = arith.constant 0 : i32
    %c0_i32_0 = arith.constant 0 : i32
    return %arg0, %c0_i32 : i32, i32
  }
  func.func @transform_3(%arg0: i32) -> (i32, i32) {
    %c0_i32 = arith.constant 0 : i32
    %c0_i32_0 = arith.constant 0 : i32
    return %arg0, %c0_i32 : i32, i32
  }
  func.func @transform_4(%arg0: i32) -> (i32, i32) {
    %c0_i32 = arith.constant 0 : i32
    %c0_i32_0 = arith.constant 0 : i32
    return %arg0, %c0_i32 : i32, i32
  }
  func.func @transform_5(%arg0: i32) -> (i32, i32) {
    %c0_i32 = arith.constant 0 : i32
    %c0_i32_0 = arith.constant 0 : i32
    %c0_i32_1 = arith.constant 0 : i32
    return %c0_i32, %c0_i32_0 : i32, i32
  }
  func.func @transform_6(%arg0: i32) -> (i32, i32) {
    %c0_i32 = arith.constant 0 : i32
    %c0_i32_0 = arith.constant 0 : i32
    return %arg0, %c0_i32 : i32, i32
  }
}

</mosaic_0001>

<sc_bundles>
// kernel: kernel.12.cloned.1.call-start
scs
__scs_entry_jumppad:
0x0: {  	(pc) =	sbr.rel $0x88, $3  }
0x1: {  	(tag) =	ssettag $0x0;
	lr =	simm.s32 $0x1  }
0x2: {  	[smem:$0x3F9B] =	sst lr;
	_ =	strace $0xD0000000  }
0x3: {  	_ = 	snop  }
0x4: {  	_ = 	snop  }
0x5: {  	_ = 	snop  }
0x6: {  	_ = 	snop  }
0x7: {  	_ = 	snop  }
__scs_overlays_trampoline_lowered:
0x8: {  	[smem:$0x3FAA] =	sst s0  }
0x9: {  	[smem:$0x3FAB] =	sst s1  }
0xa: {  	[smem:$0x3FAC] =	sst s2  }
0xb: {  	[smem:$0x3FAD] =	sst s3  }
0xc: {  	[smem:$0x3FAE] =	sst s4  }
0xd: {  	[smem:$0x3FAF] =	sst s5  }
0xe: {  	[smem:$0x3FB0] =	sst s6  }
0xf: {  	[smem:$0x3FB1] =	sst s7  }
0x10: {  	[smem:$0x3FB2] =	sst s8  }
0x11: {  	[smem:$0x3FB3] =	sst s9;
	s0 =	simm.s32 @!p0 $0x0  }
0x12: {  	s1 =	sld [smem:$0x3F99];
	s0 =	simm.s32 @p0 $0x1  }
0x13: {  	[smem:$0x3FB4] =	sst s0;
	s0 =	simm.s32 @!p1 $0x0  }
0x14: {  	s2 =	sld [smem:$0x3F98];
	s0 =	simm.s32 @p1 $0x1  }
0x15: {  	[smem:$0x3FB5] =	sst s0;
	s0 =	simm.s32 @!p2 $0x0  }
0x16: {  	s3 =	sld [smem:$0x3FDB];
	s0 =	simm.s32 @p2 $0x1  }
0x17: {  	s4 =	simm.s32 $0x1BF5;
	[smem:$0x3FB7] =	sst s0  }
0x18: {  	s0 =	sld [smem:$0x3F9A];
	_ =	swait.ge [sflag:s4], $0x0  }
0x19: {  	s7 =	sld [smem:$0x3F9B]  }
0x1a: {  	s8 =	sadd.s32 $0xFFFFE003, lr  }
0x1b: {  	s9 =	sadd.s32 $0xFFFFFEF7, lr;
	s5 =	simm.s32 $0xFFFFFFFF;
	p2 =	slt.u32 s8, $0xFFFFF086  }
0x1c: {  	p1 =	slt.u32 s9, $0xF7A;
	s5 =	simm.s32 @!p2 $0x0  }
0x1d: {  	s5 =	simm.s32 @p1 $0x1;
	p0 =	seq.s32 s7, s2  }
0x1e: {  	s7 =	smul.u32 @!p0 $0xF7A, s2;
	p2 =	seq.s32 @!p0 s5, $0x0  }
0x1f: {  	s9 =	smul.u32 $0xF7A, s1;
	s8 =	simm.s32 @!p0 $0x1BF5;
	p2 =	por !p2, p0  }
0x20: {  	[sflag:s8] =	ssyncset.s32 @!p0 $0xFFFFF086;
	s6 =	sadd.s32 @!p0 s3, s7;
	s7 =	simm.s32 @!p0 $0x108  }
0x21: {  	s3 =	sadd.s32 s3, s9;
	s6 =	sadd.s32 @!p0 $0x88, s6;
	s7 =	simm.s32 @p2 $0x1082  }
0x22: {  	[simem:s7], [sflag:s8] =	dma.local @!p0 [hbm:s6], $0xF7A  }
0x23: {  	s9 =	sor.u32 $0xD0000000, s2;
	s6 =	simm.s32 $0x108;
	_ =	swait.ge @!p0 [sflag:s8], $0x0  }
0x24: {  	s3 =	sadd.s32 $0x88, s3;
	s6 =	simm.s32 @!p1 $0x1082;
	[sflag:s4] =	ssyncset.s32 $0xFFFFF086  }
0x25: {  	[simem:s6], [sflag:s4] =	dma.local [hbm:s3], $0xF7A  }
0x26: {  	[smem:$0x3F9B] =	sst s1;
	(tag) =	ssettag s2;
	_ =	strace s9  }
0x27: {  	s1 =	sld [smem:$0x3FAB]  }
0x28: {  	s2 =	sld [smem:$0x3FAC]  }
0x29: {  	s4 =	sld [smem:$0x3FAE]  }
0x2a: {  	p0 =	seq.s32 s5, $0x0;
	s5 =	sld [smem:$0x3FAF]  }
0x2b: {  	s6 =	sld [smem:$0x3FB0]  }
0x2c: {  	s7 =	sld [smem:$0x3FB1]  }
0x2d: {  	s3 =	simm.s32 $0x108;
	s8 =	sld [smem:$0x3FB2]  }
0x2e: {  	s3 =	simm.s32 @!p0 $0x1082;
	s9 =	sld [smem:$0x3FB3]  }
0x2f: {  	lr =	sadd.s32 s0, s3;
	s0 =	sld [smem:$0x3FAA]  }
0x30: {  	s3 =	sld [smem:$0x3FAD]  }
0x31: {  	[smem:$0x3FB6] =	sst s10  }
0x32: {  	s10 =	sld [smem:$0x3FB4];
	_ =	sdelay $0x3  }
0x33: {  	p0 =	seq.s32 s10, $0x1;
	s10 =	sld [smem:$0x3FB6];
	_ =	sdelay $0x3  }
0x34: {  	[smem:$0x3FB6] =	sst s10  }
0x35: {  	s10 =	sld [smem:$0x3FB5];
	_ =	sdelay $0x3  }
0x36: {  	p1 =	seq.s32 s10, $0x1;
	s10 =	sld [smem:$0x3FB6];
	_ =	sdelay $0x3  }
0x37: {  	[smem:$0x3FB6] =	sst s10  }
0x38: {  	s10 =	sld [smem:$0x3FB7]  }
0x39: {  	_ = 	snop;
	(pc) =	sbr.ind lr, $3  }
0x3a: {  	_ = 	snop  }
0x3b: {  	_ = 	snop  }
0x3c: {  	p2 =	seq.s32 s10, $0x1;
	s10 =	sld [smem:$0x3FB6]  }
0x3d: {  	_ =	shalt  }
0x3e: {  	_ =	shalt  }
0x3f: {  	_ =	shalt  }
0x40: {  	_ =	shalt  }
0x41: {  	_ =	shalt  }
0x42: {  	_ =	shalt  }
0x43: {  	_ =	shalt  }
0x44: {  	_ =	shalt  }
0x45: {  	_ =	shalt  }
0x46: {  	_ =	shalt  }
0x47: {  	_ =	shalt  }
0x48: {  	_ =	shalt  }
0x49: {  	_ =	shalt  }
0x4a: {  	_ =	shalt  }
0x4b: {  	_ =	shalt  }
0x4c: {  	_ =	shalt  }
0x4d: {  	_ =	shalt  }
0x4e: {  	_ =	shalt  }
0x4f: {  	_ =	shalt  }
0x50: {  	_ =	shalt  }
0x51: {  	_ =	shalt  }
0x52: {  	_ =	shalt  }
0x53: {  	_ =	shalt  }
0x54: {  	_ =	shalt  }
0x55: {  	_ =	shalt  }
0x56: {  	_ =	shalt  }
0x57: {  	_ =	shalt  }
0x58: {  	_ =	shalt  }
0x59: {  	_ =	shalt  }
0x5a: {  	_ =	shalt  }
0x5b: {  	_ =	shalt  }
0x5c: {  	_ =	shalt  }
0x5d: {  	_ =	shalt  }
0x5e: {  	_ =	shalt  }
0x5f: {  	_ =	shalt  }
0x60: {  	_ =	shalt  }
0x61: {  	_ =	shalt  }
0x62: {  	_ =	shalt  }
0x63: {  	_ =	shalt  }
0x64: {  	_ =	shalt  }
0x65: {  	_ =	shalt  }
0x66: {  	_ =	shalt  }
0x67: {  	_ =	shalt  }
0x68: {  	_ =	shalt  }
0x69: {  	_ =	shalt  }
0x6a: {  	_ =	shalt  }
0x6b: {  	_ =	shalt  }
0x6c: {  	_ =	shalt  }
0x6d: {  	_ =	shalt  }
0x6e: {  	_ =	shalt  }
0x6f: {  	_ =	shalt  }
0x70: {  	_ =	shalt  }
0x71: {  	_ =	shalt  }
0x72: {  	_ =	shalt  }
0x73: {  	_ =	shalt  }
0x74: {  	_ =	shalt  }
0x75: {  	_ =	shalt  }
0x76: {  	_ =	shalt  }
0x77: {  	_ =	shalt  }
0x78: {  	_ =	shalt  }
0x79: {  	_ =	shalt  }
0x7a: {  	_ =	shalt  }
0x7b: {  	_ =	shalt  }
0x7c: {  	_ =	shalt  }
0x7d: {  	_ =	shalt  }
0x7e: {  	_ =	shalt  }
0x7f: {  	_ =	shalt  }
0x80: {  	_ =	shalt  }
0x81: {  	_ =	shalt  }
0x82: {  	_ =	shalt  }
0x83: {  	_ =	shalt  }
0x84: {  	_ =	shalt  }
0x85: {  	_ =	shalt  }
0x86: {  	_ =	shalt  }
0x87: {  	_ =	shalt  }
.Lfunc_end0:
.L_simem_size_0:
called_computation.1_lowered:
.L_overlay_start_0:
0x88: {  	s2 =	sld [smem:$0x3FD9]  }
0x89: {  	s3 =	sld [smem:$0x3FFE];
	_ =	sdelay $0x1  }
0x8a: {  	s1 =	srdreg.scid  }
0x8b: {  	s0 =	sand.u32 $0x1, s1  }
0x8c: {  	s17 =	sshll.u32 s0, $0xA;
	s2 =	sadd.s32 s3, s2  }
0x8d: {  	s2 =	sadd.s32 s2, s17  }
0x8e: {  	[smem:$0x3FC2] =	sst s2  }
0x8f: {  	_ = 	snop  }
0x90: {  	s2 =	sld [smem:$0x3FD0];
	(tm) =	ssettm $0x1  }
0x91: {  	s18 =	sld [smem:$0x3FFB];
	_ =	sdelay $0x3  }
0x92: {  	_ =	strace s18  }
0x93: {  	s3 =	sld [smem:$0x3FFC];
	_ =	sdelay $0x3  }
0x94: {  	_ =	strace s3  }
0x95: {  	s3 =	sld [smem:$0x3FFD];
	_ =	sdelay $0x3  }
0x96: {  	_ =	strace s3  }
0x97: {  	_ =	strace $0x8FFFFFFF  }
0x98: {  	s19 =	sld [smem:$0x3FDB];
	_ =	sdelay $0x1  }
0x99: {  	s4 =	simm.s32 $_scs_section_size  }
0x9a: {  	s5 =	simm.s32 $_size__tile_overlayer_lowered;
	s6 =	simm.s32 $_tile_overlayer_lowered  }
0x9b: {  	s22 =	simm.s32 $0x1BFF;
	s21 =	sshll.u32 s6, $0x1;
	s3 =	sadd.s32 s4, s19  }
0x9c: {  	s7 =	simm.s32 $0x0;
	s20 =	sshll.u32 s5, $0x1;
	s5 =	sadd.s32 s21, s3  }
0x9d: {  	[timem:s7], [sflag:s22] =	dma.local [hbm:s5], s20  }
0x9e: {  	_ =	swait.ge [sflag:s22], s20  }
0x9f: {  	s4 =	ssub.s32 $0x0, s20;
	[sflag:s22] =	ssyncset.done $0x0  }
0xa0: {  	[sflag:s22] =	ssyncadd.s32 s4;
	_ =	sdelay $0x1  }
0xa1: {  	s23 =	simm.s32 $0x1B8B  }
0xa2: {  	_ =	swait.ge [sflag:s23], $0x1  }
0xa3: {  	[sflag:s23] =	ssyncset.done $0x0  }
0xa4: {  	s25 =	simm.s32 $0x1B8E;
	s24 =	sld [smem:$0x3FFE];
	[sflag:s23] =	ssyncadd.s32 $0xFFFFFFFF  }
0xa5: {  	s26 =	simm.s32 $execute0_lowered;
	[smem:$0x3FD2] =	sst s25  }
0xa6: {  	s5 =	sshll.u32 s26, $0x1;
	_ =	strace $0x80000049;
	[dreg:$0x1] =	wrdreg $0xFFFFFFFF  }
0xa7: {  	s28 =	simm.s32 $_size_execute0_lowered;
	s3 =	sadd.s32 s3, s5;
	[dreg:$0x0] =	wrdreg $0x0  }
0xa8: {  	s5 =	sshll.u32 s28, $0x1;
	[dreg:$0x2] =	wrdreg s3  }
0xa9: {  	[dreg:$0x3] =	wrdreg s5  }
0xaa: {  	[dreg:$0x4] =	wrdreg $0xC0  }
0xab: {  	_ =	task [dreg:s7], $0x5FFFF  }
0xac: {  	[dreg:$0x1] =	wrdreg $0xFFFFFFFF  }
0xad: {  	[dreg:$0x0] =	wrdreg $0x60  }
0xae: {  	[dreg:$0x2] =	wrdreg s24  }
0xaf: {  	[dreg:$0x3] =	wrdreg s2  }
0xb0: {  	[dreg:$0x4] =	wrdreg $0x5C000  }
0xb1: {  	[dreg:$0x5] =	wrdreg $0x9  }
0xb2: {  	_ =	task.clear_ibuf [dreg:s7], $0x6FFFF;
	_ =	strace $0x90000049  }
0xb3: {  	s29 =	simm.s32 $0x9;
	_ =	strace $0x8000004B  }
0xb4: {  	_ =	swait.ge [sflag:s29], $0x1  }
0xb5: {  	[sflag:s29] =	ssyncadd.s32 $0xFFFFFFFF  }
0xb6: {  	_ =	strace $0x9000004B  }
0xb7: {  	_ =	sfence  }
0xb8: {  	s30 =	sld [smem:$0x0];
	_ =	sdelay $0x2  }
0xb9: {  	s31 =	sshll.u32 s1, $0xD;
	s1 =	sshrl.u32 s1, $0x2  }
0xba: {  	s3 =	sand.u32 $0x4000, s31;
	s1 =	sadd.s32 s1, s30  }
0xbb: {  	s0 =	sor.u32 s3, s0;
	s1 =	sshll.u32 s1, $0x11  }
0xbc: {  	s0 =	sor.u32 s1, s0  }
0xbd: {  	s0 =	sadd.s32 $0x8F2B, s0  }
0xbe: {  	[sflag:s0] =	ssyncadd.remote.s32 $0x1  }
0xbf: {  	_ =	sfence.sel $0xFFFF  }
0xc0: {  	[dreg:$0x0] =	wrdreg $0xFFFFFFFF;
	(pc) =	sbr.abs _section_cstart, $3  }
0xc1: {  	[dreg:$0x1] =	wrdreg $0xFFFFFFFF  }
0xc2: {  	_ =	task.clear_ibuf [dreg:s7], $0x2FFFF;
	_ =	strace $0x9FFFFFFF  }
0xc3: {  	(tm) =	ssettm $0x7FFFFFFF  }
tec
execute0_lowered:
.L_overlay_start_1:
0x0: {  	(tag) =	ssettag $0x1  }
0x1: {  	s5 =	rddreg [dreg:$0x0]  }
0x2: {  	s10 =	rddreg [dreg:$0x1]  }
0x3: {  	s2 =	rddreg [dreg:$0x2]  }
0x4: {  	s0 =	rddreg [dreg:$0x3];
	s1 =	stileid.u32  }
0x5: {  	s4 =	srdreg.scid;
	s6 =	smul.u32 $0x49, s1  }
0x6: {  	s3 =	simm.s32 $0x0;
	s7 =	sand.u32 $0x1, s4;
	s4 =	smul.u32 $0x54, s1  }
0x7: {  	[smem:$0x7FF] =	sst s3;
	s8 =	smul.u32 $0x2780, s1;
	s31 =	sshll.u32 s1, $0x6  }
0x8: {  	p0 =	seq.s32 s7, $0x0;
	_ =	strace $0x8000004A;
	s30 =	ssub.s32 $0x2, s7  }
0x9: {  	s7 =	smul.u32 $0x27800, s7;
	s6 =	sadd.s32 $0x540, s6;
	s9 =	sshrl.u32 s8, $0x3  }
0xa: {  	s12 =	sshrl.u32 s30, $0x1;
	s13 =	sadd.s32 s8, s2;
	s6 =	smov.u32 @p0 s4  }
0xb: {  	s4 =	sadd.s32 $0x8CC00, s5;
	s29 =	sadd.s32 s9, s5;
	s12 =	ssub.s32 s30, s12  }
0xc: {  	s14 =	sadd.s32 s8, s7;
	s7 =	sor.u32 $0x1C01, s31;
	s6 =	sshll.u32 s6, $0x4  }
0xd: {  	s14 =	sshrl.u32 s14, $0x3;
	s11 =	sadd.s32 s6, s5;
	s5 =	simm.s32 $0x54  }
0xe: {  	s6 =	sadd.s32 $0x91C00, s29;
	s10 =	sadd.s32 s10, s14;
	s14 =	simm.s32 $0x0  }
0xf: {  	s5 =	simm.s32 @!p0 $0x49;
	s8 =	sadd.s32 $0x3000, s11;
	s9 =	sadd.s32 $0xD240, s11  }
0x10: {  	s11 =	smax.u32 s12, $0x1;
	s12 =	sshrl.u32 s13, $0x3;
	s13 =	simm.s32 $0x1  }
.LBB2_1:
0x11: {  	[spmem:s12], [sflag:s7] =	dma.local [hbm:s6], $0x4F0  }
0x12: {  	_ =	swait.ge [sflag:s13], $0x4F0  }
0x13: {  	[sflag:s13] =	ssyncset.done $0x0  }
0x14: {  	[sflag:s13] =	ssyncadd.s32 $0xFFFFFB10  }
0x15: {  	[tilespmem:s3], [sflag:$0x1] =	stream.linear.gather [hbm4b:s8+s3], $0x2A00, $0x38;
	[tilespmem:$0x8380] =	vst v63  }
0x16: {  	_ =	swait.ge [sflag:s13], $0x2A00  }
0x17: {  	[sflag:s13] =	ssyncset.done $0x0  }
0x18: {  	s15 =	simm.s32 $0x2A00;
	[sflag:s13] =	ssyncadd.s32 $0xFFFFD600  }
0x19: {  	[tilespmem:s15], [sflag:$0x1] =	stream.linear.gather [hbm4b:s9+s3], $0x2A00, $0x38;
	[tilespmem:$0x8380] =	vst v63  }
0x1a: {  	_ =	swait.ge [sflag:s13], $0x2A00  }
0x1b: {  	p0 =	sle.u32 s5, $0x0;
	[sflag:s13] =	ssyncset.done $0x0  }
0x1c: {  	s16 =	simm.s32 @!p0 $0x80;
	[sflag:s13] =	ssyncadd.s32 $0xFFFFD600  }
0x1d: {  	s17 =	simm.s32 @!p0 $0x5400;
	s18 =	simm.s32 @!p0 $0x2;
	[bflag:$0x0] =	sbarrier.arrive $0xFFFF  }
0x1e: {  	[tilespmem:s17], [sflag:$0x2] =	stream.indirect.gather @!p0 [hbm4b:s4+s16], $0x10, s3, s16, $0xb8;
	[tilespmem:$0x8380] =	vst v63  }
0x1f: {  	_ =	swait.ge @!p0 [sflag:s18], $0x800  }
0x20: {  	[sflag:s18] =	ssyncset.done @!p0 $0x0;
	p0 =	por p0, p0  }
0x21: {  	[sflag:s18] =	ssyncadd.s32 @!p0 $0xFFFFF800  }
0x22: {  	[spmem:s2] =	stream.indirect.scatter.add.f32 @!p0 [tilespmem:s17], [sflag:$0x1], $0x10, s15, s16, $0xb8;
	[tilespmem:$0x8380] =	vst v63  }
0x23: {  	p1 =	sle.u32 s5, $0x1;
	s18 =	simm.s32 @!p0 $0x1;
	s17 =	simm.s32 $0x2  }
0x24: {  	s15 =	simm.s32 $0x2A80;
	s16 =	simm.s32 $0x80;
	_ =	swait.ge @!p0 [sflag:s18], $0x800  }
.LBB2_2:
0x25: {  	s19 =	simm.s32 @!p1 $0x80;
	s20 =	simm.s32 @!p1 $0x5400;
	[sflag:s18] =	ssyncset.done @!p0 $0x0  }
0x26: {  	s21 =	smov.u32 s17;
	s22 =	smov.u32 s15;
	s17 =	sadd.s32 $0x1, s17  }
0x27: {  	s23 =	simm.s32 @!p1 $0x2;
	[sflag:s18] =	ssyncadd.s32 @!p0 $0xFFFFF800;
	p2 =	sne.s32 s17, $0x54  }
0x28: {  	[tilespmem:s20], [sflag:$0x2] =	stream.indirect.gather @!p1 [hbm4b:s4+s19], $0x10, s16, s19, $0xb8;
	[tilespmem:$0x8380] =	vst v63  }
.Ltmp0:
0x29: {  	_ =	swait.ge @!p1 [sflag:s23], $0x800;
	(pc) =	sbr.rel @p2 .LBB2_2-.Ltmp0, $4  }
0x2a: {  	p0 =	por p1, p1;
	[sflag:s23] =	ssyncset.done @!p1 $0x0  }
0x2b: {  	s15 =	sadd.s32 $0x80, s15;
	s18 =	simm.s32 @!p0 $0x1;
	[sflag:s23] =	ssyncadd.s32 @!p0 $0xFFFFF800  }
0x2c: {  	[spmem:s2] =	stream.indirect.scatter.add.f32 @!p0 [tilespmem:s20], [sflag:$0x1], $0x10, s22, s19, $0xb8;
	[tilespmem:$0x8380] =	vst v63  }
0x2d: {  	s16 =	sadd.s32 $0x80, s16;
	p1 =	sge.u32 s21, s5;
	_ =	swait.ge @!p0 [sflag:s18], $0x800  }
0x2e: {  	s17 =	simm.s32 @!p1 $0x80;
	[sflag:s18] =	ssyncset.done @!p0 $0x0  }
0x2f: {  	s19 =	simm.s32 @!p1 $0x5400;
	s20 =	simm.s32 @!p1 $0x2;
	[sflag:s18] =	ssyncadd.s32 @!p0 $0xFFFFF800  }
0x30: {  	[tilespmem:s19], [sflag:$0x2] =	stream.indirect.gather @!p1 [hbm4b:s4+s17], $0x10, s16, s17, $0xb8;
	[tilespmem:$0x8380] =	vst v63  }
0x31: {  	_ =	swait.ge @!p1 [sflag:s20], $0x800  }
0x32: {  	p0 =	por p1, p1;
	[sflag:s20] =	ssyncset.done @!p1 $0x0  }
0x33: {  	s16 =	simm.s32 @!p0 $0x1;
	[sflag:s20] =	ssyncadd.s32 @!p0 $0xFFFFF800  }
0x34: {  	[spmem:s2] =	stream.indirect.scatter.add.f32 @!p0 [tilespmem:s19], [sflag:$0x1], $0x10, s15, s17, $0xb8;
	[tilespmem:$0x8380] =	vst v63  }
0x35: {  	_ =	swait.ge @!p0 [sflag:s16], $0x800  }
0x36: {  	s14 =	sadd.s32 $0x1, s14;
	[sflag:s16] =	ssyncset.done @!p0 $0x0  }
0x37: {  	[sflag:s16] =	ssyncadd.s32 @!p0 $0xFFFFF800;
	p0 =	sne.s32 s14, s11  }
.Ltmp1:
0x38: {  	[bflag:$0x0] =	sbarrier.arrive $0xFFFF;
	(pc) =	sbr.rel @p0 .LBB2_1-.Ltmp1, $4  }
0x39: {  	[hbm:s10], [sflag:s7] =	dma.local [spmem:s12], $0x4F0  }
0x3a: {  	_ =	swait.ge [sflag:s13], $0x4F0  }
0x3b: {  	[sflag:s13] =	ssyncset.done $0x0  }
0x3c: {  	[sflag:s13] =	ssyncadd.s32 $0xFFFFFB10  }
0x3d: {  	_ =	sfence.sel $0x180000  }
0x3e: {  	[bflag:$0x0] =	sbarrier.arrive $0xFFFF  }
0x3f: {  	p0 =	sne.s32 s1, $0x0;
	_ =	strace $0x9000004A  }
0x40: {  	s0 =	sadd.s32 @!p0 $0x100000, s0;
	[bflag:$0x2] =	sbarrier.arrive $0xFFFF  }
0x41: {  	[sflag:s0] =	ssyncadd.tile.s32 @!p0 $0x1;
	_ =	shalt  }
.Lfunc_end2:
_tile_overlayer_lowered:
.L_overlay_start_2:
0x42: {  	(tag) =	ssettag $0x2  }
0x43: {  	s0 =	rddreg [dreg:$0x0];
	s2 =	stileid.u32  }
0x44: {  	s1 =	rddreg [dreg:$0x1];
	p0 =	sne.s32 s2, $0x0  }
0x45: {  	s3 =	rddreg [dreg:$0x2];
	[bflag:$0x3] =	sbarrier.arrive $0xFFFF;
	s2 =	simm.s32 @!p0 $0x1C01  }
0x46: {  	[timem:s3], [sflag:s2] =	dma.local @!p0 [hbm:s0], s1  }
0x47: {  	s0 =	simm.s32 @!p0 $0x1  }
0x48: {  	_ =	swait.ge @!p0 [sflag:s0], s1  }
0x49: {  	s1 =	ssub.s32 @!p0 $0x0, s1;
	[sflag:s0] =	ssyncset.done @!p0 $0x0  }
0x4a: {  	[sflag:s0] =	ssyncadd.s32 @!p0 s1  }
0x4b: {  	[bflag:$0x3] =	sbarrier.arrive $0xFFFF  }
0x4c: {  	_ =	shalt  }

// kernel: kernel.15.cloned.1.call-start
scs
__scs_entry_jumppad:
0x0: {  	(pc) =	sbr.rel $0x88, $3  }
0x1: {  	(tag) =	ssettag $0x0;
	lr =	simm.s32 $0x1  }
0x2: {  	[smem:$0x3F9B] =	sst lr;
	_ =	strace $0xD0000000  }
0x3: {  	_ = 	snop  }
0x4: {  	_ = 	snop  }
0x5: {  	_ = 	snop  }
0x6: {  	_ = 	snop  }
0x7: {  	_ = 	snop  }
__scs_overlays_trampoline_lowered:
0x8: {  	[smem:$0x3FAA] =	sst s0  }
0x9: {  	[smem:$0x3FAB] =	sst s1  }
0xa: {  	[smem:$0x3FAC] =	sst s2  }
0xb: {  	[smem:$0x3FAD] =	sst s3  }
0xc: {  	[smem:$0x3FAE] =	sst s4  }
0xd: {  	[smem:$0x3FAF] =	sst s5  }
0xe: {  	[smem:$0x3FB0] =	sst s6  }
0xf: {  	[smem:$0x3FB1] =	sst s7  }
0x10: {  	[smem:$0x3FB2] =	sst s8  }
0x11: {  	[smem:$0x3FB3] =	sst s9;
	s0 =	simm.s32 @!p0 $0x0  }
0x12: {  	s1 =	sld [smem:$0x3F99];
	s0 =	simm.s32 @p0 $0x1  }
0x13: {  	[smem:$0x3FB4] =	sst s0;
	s0 =	simm.s32 @!p1 $0x0  }
0x14: {  	s2 =	sld [smem:$0x3F98];
	s0 =	simm.s32 @p1 $0x1  }
0x15: {  	[smem:$0x3FB5] =	sst s0;
	s0 =	simm.s32 @!p2 $0x0  }
0x16: {  	s3 =	sld [smem:$0x3FDB];
	s0 =	simm.s32 @p2 $0x1  }
0x17: {  	s4 =	simm.s32 $0x1BF5;
	[smem:$0x3FB7] =	sst s0  }
0x18: {  	s0 =	sld [smem:$0x3F9A];
	_ =	swait.ge [sflag:s4], $0x0  }
0x19: {  	s7 =	sld [smem:$0x3F9B]  }
0x1a: {  	s8 =	sadd.s32 $0xFFFFE003, lr  }
0x1b: {  	s9 =	sadd.s32 $0xFFFFFEF7, lr;
	s5 =	simm.s32 $0xFFFFFFFF;
	p2 =	slt.u32 s8, $0xFFFFF086  }
0x1c: {  	p1 =	slt.u32 s9, $0xF7A;
	s5 =	simm.s32 @!p2 $0x0  }
0x1d: {  	s5 =	simm.s32 @p1 $0x1;
	p0 =	seq.s32 s7, s2  }
0x1e: {  	s7 =	smul.u32 @!p0 $0xF7A, s2;
	p2 =	seq.s32 @!p0 s5, $0x0  }
0x1f: {  	s9 =	smul.u32 $0xF7A, s1;
	s8 =	simm.s32 @!p0 $0x1BF5;
	p2 =	por !p2, p0  }
0x20: {  	[sflag:s8] =	ssyncset.s32 @!p0 $0xFFFFF086;
	s6 =	sadd.s32 @!p0 s3, s7;
	s7 =	simm.s32 @!p0 $0x108  }
0x21: {  	s3 =	sadd.s32 s3, s9;
	s6 =	sadd.s32 @!p0 $0x88, s6;
	s7 =	simm.s32 @p2 $0x1082  }
0x22: {  	[simem:s7], [sflag:s8] =	dma.local @!p0 [hbm:s6], $0xF7A  }
0x23: {  	s9 =	sor.u32 $0xD0000000, s2;
	s6 =	simm.s32 $0x108;
	_ =	swait.ge @!p0 [sflag:s8], $0x0  }
0x24: {  	s3 =	sadd.s32 $0x88, s3;
	s6 =	simm.s32 @!p1 $0x1082;
	[sflag:s4] =	ssyncset.s32 $0xFFFFF086  }
0x25: {  	[simem:s6], [sflag:s4] =	dma.local [hbm:s3], $0xF7A  }
0x26: {  	[smem:$0x3F9B] =	sst s1;
	(tag) =	ssettag s2;
	_ =	strace s9  }
0x27: {  	s1 =	sld [smem:$0x3FAB]  }
0x28: {  	s2 =	sld [smem:$0x3FAC]  }
0x29: {  	s4 =	sld [smem:$0x3FAE]  }
0x2a: {  	p0 =	seq.s32 s5, $0x0;
	s5 =	sld [smem:$0x3FAF]  }
0x2b: {  	s6 =	sld [smem:$0x3FB0]  }
0x2c: {  	s7 =	sld [smem:$0x3FB1]  }
0x2d: {  	s3 =	simm.s32 $0x108;
	s8 =	sld [smem:$0x3FB2]  }
0x2e: {  	s3 =	simm.s32 @!p0 $0x1082;
	s9 =	sld [smem:$0x3FB3]  }
0x2f: {  	lr =	sadd.s32 s0, s3;
	s0 =	sld [smem:$0x3FAA]  }
0x30: {  	s3 =	sld [smem:$0x3FAD]  }
0x31: {  	[smem:$0x3FB6] =	sst s10  }
0x32: {  	s10 =	sld [smem:$0x3FB4];
	_ =	sdelay $0x3  }
0x33: {  	p0 =	seq.s32 s10, $0x1;
	s10 =	sld [smem:$0x3FB6];
	_ =	sdelay $0x3  }
0x34: {  	[smem:$0x3FB6] =	sst s10  }
0x35: {  	s10 =	sld [smem:$0x3FB5];
	_ =	sdelay $0x3  }
0x36: {  	p1 =	seq.s32 s10, $0x1;
	s10 =	sld [smem:$0x3FB6];
	_ =	sdelay $0x3  }
0x37: {  	[smem:$0x3FB6] =	sst s10  }
0x38: {  	s10 =	sld [smem:$0x3FB7]  }
0x39: {  	_ = 	snop;
	(pc) =	sbr.ind lr, $3  }
0x3a: {  	_ = 	snop  }
0x3b: {  	_ = 	snop  }
0x3c: {  	p2 =	seq.s32 s10, $0x1;
	s10 =	sld [smem:$0x3FB6]  }
0x3d: {  	_ =	shalt  }
0x3e: {  	_ =	shalt  }
0x3f: {  	_ =	shalt  }
0x40: {  	_ =	shalt  }
0x41: {  	_ =	shalt  }
0x42: {  	_ =	shalt  }
0x43: {  	_ =	shalt  }
0x44: {  	_ =	shalt  }
0x45: {  	_ =	shalt  }
0x46: {  	_ =	shalt  }
0x47: {  	_ =	shalt  }
0x48: {  	_ =	shalt  }
0x49: {  	_ =	shalt  }
0x4a: {  	_ =	shalt  }
0x4b: {  	_ =	shalt  }
0x4c: {  	_ =	shalt  }
0x4d: {  	_ =	shalt  }
0x4e: {  	_ =	shalt  }
0x4f: {  	_ =	shalt  }
0x50: {  	_ =	shalt  }
0x51: {  	_ =	shalt  }
0x52: {  	_ =	shalt  }
0x53: {  	_ =	shalt  }
0x54: {  	_ =	shalt  }
0x55: {  	_ =	shalt  }
0x56: {  	_ =	shalt  }
0x57: {  	_ =	shalt  }
0x58: {  	_ =	shalt  }
0x59: {  	_ =	shalt  }
0x5a: {  	_ =	shalt  }
0x5b: {  	_ =	shalt  }
0x5c: {  	_ =	shalt  }
0x5d: {  	_ =	shalt  }
0x5e: {  	_ =	shalt  }
0x5f: {  	_ =	shalt  }
0x60: {  	_ =	shalt  }
0x61: {  	_ =	shalt  }
0x62: {  	_ =	shalt  }
0x63: {  	_ =	shalt  }
0x64: {  	_ =	shalt  }
0x65: {  	_ =	shalt  }
0x66: {  	_ =	shalt  }
0x67: {  	_ =	shalt  }
0x68: {  	_ =	shalt  }
0x69: {  	_ =	shalt  }
0x6a: {  	_ =	shalt  }
0x6b: {  	_ =	shalt  }
0x6c: {  	_ =	shalt  }
0x6d: {  	_ =	shalt  }
0x6e: {  	_ =	shalt  }
0x6f: {  	_ =	shalt  }
0x70: {  	_ =	shalt  }
0x71: {  	_ =	shalt  }
0x72: {  	_ =	shalt  }
0x73: {  	_ =	shalt  }
0x74: {  	_ =	shalt  }
0x75: {  	_ =	shalt  }
0x76: {  	_ =	shalt  }
0x77: {  	_ =	shalt  }
0x78: {  	_ =	shalt  }
0x79: {  	_ =	shalt  }
0x7a: {  	_ =	shalt  }
0x7b: {  	_ =	shalt  }
0x7c: {  	_ =	shalt  }
0x7d: {  	_ =	shalt  }
0x7e: {  	_ =	shalt  }
0x7f: {  	_ =	shalt  }
0x80: {  	_ =	shalt  }
0x81: {  	_ =	shalt  }
0x82: {  	_ =	shalt  }
0x83: {  	_ =	shalt  }
0x84: {  	_ =	shalt  }
0x85: {  	_ =	shalt  }
0x86: {  	_ =	shalt  }
0x87: {  	_ =	shalt  }
.Lfunc_end0:
.L_simem_size_0:
called_computation.2_lowered:
.L_overlay_start_0:
0x88: {  	s2 =	sld [smem:$0x3FD9]  }
0x89: {  	s3 =	sld [smem:$0x3FFE];
	_ =	sdelay $0x1  }
0x8a: {  	s1 =	srdreg.scid  }
0x8b: {  	s0 =	sand.u32 $0x1, s1  }
0x8c: {  	s17 =	sshll.u32 s0, $0xA;
	s2 =	sadd.s32 s3, s2  }
0x8d: {  	s2 =	sadd.s32 s2, s17  }
0x8e: {  	[smem:$0x3FC2] =	sst s2  }
0x8f: {  	_ = 	snop  }
0x90: {  	s2 =	sld [smem:$0x3FD0];
	(tm) =	ssettm $0x1  }
0x91: {  	s18 =	sld [smem:$0x3FFB];
	_ =	sdelay $0x3  }
0x92: {  	_ =	strace s18  }
0x93: {  	s3 =	sld [smem:$0x3FFC];
	_ =	sdelay $0x3  }
0x94: {  	_ =	strace s3  }
0x95: {  	s3 =	sld [smem:$0x3FFD];
	_ =	sdelay $0x3  }
0x96: {  	_ =	strace s3  }
0x97: {  	_ =	strace $0x8FFFFFFF  }
0x98: {  	s19 =	sld [smem:$0x3FDB];
	_ =	sdelay $0x1  }
0x99: {  	s4 =	simm.s32 $_scs_section_size  }
0x9a: {  	s5 =	simm.s32 $_size__tile_overlayer_lowered;
	s6 =	simm.s32 $_tile_overlayer_lowered  }
0x9b: {  	s22 =	simm.s32 $0x1BFF;
	s21 =	sshll.u32 s6, $0x1;
	s3 =	sadd.s32 s4, s19  }
0x9c: {  	s7 =	simm.s32 $0x0;
	s20 =	sshll.u32 s5, $0x1;
	s5 =	sadd.s32 s21, s3  }
0x9d: {  	[timem:s7], [sflag:s22] =	dma.local [hbm:s5], s20  }
0x9e: {  	_ =	swait.ge [sflag:s22], s20  }
0x9f: {  	s4 =	ssub.s32 $0x0, s20;
	[sflag:s22] =	ssyncset.done $0x0  }
0xa0: {  	[sflag:s22] =	ssyncadd.s32 s4;
	_ =	sdelay $0x1  }
0xa1: {  	s23 =	simm.s32 $0x1B8B  }
0xa2: {  	_ =	swait.ge [sflag:s23], $0x1  }
0xa3: {  	[sflag:s23] =	ssyncset.done $0x0  }
0xa4: {  	s25 =	simm.s32 $0x1B8E;
	s24 =	sld [smem:$0x3FFE];
	[sflag:s23] =	ssyncadd.s32 $0xFFFFFFFF  }
0xa5: {  	s26 =	simm.s32 $execute0_lowered;
	[smem:$0x3FD2] =	sst s25  }
0xa6: {  	s5 =	sshll.u32 s26, $0x1;
	_ =	strace $0x8000004C;
	[dreg:$0x1] =	wrdreg $0xFFFFFFFF  }
0xa7: {  	s28 =	simm.s32 $_size_execute0_lowered;
	s3 =	sadd.s32 s3, s5;
	[dreg:$0x0] =	wrdreg $0x0  }
0xa8: {  	s5 =	sshll.u32 s28, $0x1;
	[dreg:$0x2] =	wrdreg s3  }
0xa9: {  	[dreg:$0x3] =	wrdreg s5  }
0xaa: {  	[dreg:$0x4] =	wrdreg $0xC0  }
0xab: {  	_ =	task [dreg:s7], $0x5FFFF  }
0xac: {  	[dreg:$0x1] =	wrdreg $0xFFFFFFFF  }
0xad: {  	[dreg:$0x0] =	wrdreg $0x60  }
0xae: {  	[dreg:$0x2] =	wrdreg s24  }
0xaf: {  	[dreg:$0x3] =	wrdreg s2  }
0xb0: {  	[dreg:$0x4] =	wrdreg $0x68000  }
0xb1: {  	[dreg:$0x5] =	wrdreg $0x9  }
0xb2: {  	_ =	task.clear_ibuf [dreg:s7], $0x6FFFF;
	_ =	strace $0x9000004C  }
0xb3: {  	s29 =	simm.s32 $0x9;
	_ =	strace $0x8000004E  }
0xb4: {  	_ =	swait.ge [sflag:s29], $0x1  }
0xb5: {  	[sflag:s29] =	ssyncadd.s32 $0xFFFFFFFF  }
0xb6: {  	_ =	strace $0x9000004E  }
0xb7: {  	_ =	sfence  }
0xb8: {  	s30 =	sld [smem:$0x0];
	_ =	sdelay $0x2  }
0xb9: {  	s31 =	sshll.u32 s1, $0xD;
	s1 =	sshrl.u32 s1, $0x2  }
0xba: {  	s3 =	sand.u32 $0x4000, s31;
	s1 =	sadd.s32 s1, s30  }
0xbb: {  	s0 =	sor.u32 s3, s0;
	s1 =	sshll.u32 s1, $0x11  }
0xbc: {  	s0 =	sor.u32 s1, s0  }
0xbd: {  	s0 =	sadd.s32 $0x8F2B, s0  }
0xbe: {  	[sflag:s0] =	ssyncadd.remote.s32 $0x1  }
0xbf: {  	_ =	sfence.sel $0xFFFF  }
0xc0: {  	[dreg:$0x0] =	wrdreg $0xFFFFFFFF;
	(pc) =	sbr.abs _section_cstart, $3  }
0xc1: {  	[dreg:$0x1] =	wrdreg $0xFFFFFFFF  }
0xc2: {  	_ =	task.clear_ibuf [dreg:s7], $0x2FFFF;
	_ =	strace $0x9FFFFFFF  }
0xc3: {  	(tm) =	ssettm $0x7FFFFFFF  }
tec
execute0_lowered:
.L_overlay_start_1:
0x0: {  	(tag) =	ssettag $0x1  }
0x1: {  	s6 =	rddreg [dreg:$0x0]  }
0x2: {  	s7 =	rddreg [dreg:$0x1]  }
0x3: {  	s2 =	rddreg [dreg:$0x2]  }
0x4: {  	s0 =	rddreg [dreg:$0x3];
	s1 =	stileid.u32  }
0x5: {  	s4 =	srdreg.scid;
	s5 =	smul.u32 $0x49, s1  }
0x6: {  	s3 =	simm.s32 $0x0;
	s8 =	sand.u32 $0x1, s4;
	s4 =	smul.u32 $0x54, s1  }
0x7: {  	s14 =	simm.s32 $0x0;
	[smem:$0x7FF] =	sst s3;
	s9 =	smul.u32 $0x62C0, s1  }
0x8: {  	s31 =	sshll.u32 s1, $0x6;
	p0 =	seq.s32 s8, $0x0;
	s10 =	smul.u32 $0x62C00, s8  }
0x9: {  	_ =	strace $0x8000004D;
	s8 =	ssub.s32 $0x2, s8;
	s5 =	sadd.s32 $0x540, s5  }
0xa: {  	s12 =	sshrl.u32 s8, $0x1;
	s13 =	sadd.s32 s9, s2;
	s30 =	sshrl.u32 s9, $0x3  }
0xb: {  	s5 =	smov.u32 @p0 s4;
	s4 =	sadd.s32 $0x65A00, s6;
	s29 =	sadd.s32 s9, s10  }
0xc: {  	s12 =	ssub.s32 s8, s12;
	s5 =	sshll.u32 s5, $0x4;
	s10 =	sshrl.u32 s29, $0x3  }
0xd: {  	s11 =	sadd.s32 s5, s6;
	s5 =	simm.s32 $0x54;
	s10 =	sadd.s32 s10, s6  }
0xe: {  	s6 =	sadd.s32 s7, s30;
	s7 =	sor.u32 $0x1C01, s31;
	s5 =	simm.s32 @!p0 $0x49  }
0xf: {  	s8 =	sadd.s32 $0x3000, s11;
	s9 =	sadd.s32 $0xD240, s11;
	s10 =	sadd.s32 $0x71E00, s10  }
0x10: {  	s11 =	smax.u32 s12, $0x1;
	s12 =	sshrl.u32 s13, $0x3;
	s13 =	simm.s32 $0x1  }
.LBB2_1:
0x11: {  	[spmem:s12], [sflag:s7] =	dma.local [hbm:s6], $0xC58  }
0x12: {  	_ =	swait.ge [sflag:s13], $0xC58  }
0x13: {  	[sflag:s13] =	ssyncset.done $0x0  }
0x14: {  	[sflag:s13] =	ssyncadd.s32 $0xFFFFF3A8  }
0x15: {  	[tilespmem:s3], [sflag:$0x1] =	stream.linear.gather [hbm4b:s8+s3], $0x2A00, $0x38;
	[tilespmem:$0xCAC0] =	vst v63  }
0x16: {  	_ =	swait.ge [sflag:s13], $0x2A00  }
0x17: {  	[sflag:s13] =	ssyncset.done $0x0  }
0x18: {  	s15 =	simm.s32 $0x2A00;
	[sflag:s13] =	ssyncadd.s32 $0xFFFFD600  }
0x19: {  	[tilespmem:s15], [sflag:$0x1] =	stream.linear.gather [hbm4b:s9+s3], $0x2A00, $0x38;
	[tilespmem:$0xCAC0] =	vst v63  }
0x1a: {  	_ =	swait.ge [sflag:s13], $0x2A00  }
0x1b: {  	p0 =	sle.u32 s5, $0x0;
	[sflag:s13] =	ssyncset.done $0x0  }
0x1c: {  	s16 =	simm.s32 @!p0 $0x80;
	[sflag:s13] =	ssyncadd.s32 $0xFFFFD600  }
0x1d: {  	s17 =	simm.s32 @!p0 $0x5400;
	s18 =	simm.s32 @!p0 $0x2;
	[bflag:$0x0] =	sbarrier.arrive $0xFFFF  }
0x1e: {  	[tilespmem:s17], [sflag:$0x2] =	stream.indirect.gather @!p0 [hbm4b:s4+s16], $0x28, s3, s16, $0xb8;
	[tilespmem:$0xCAC0] =	vst v63  }
0x1f: {  	_ =	swait.ge @!p0 [sflag:s18], $0x1400  }
0x20: {  	[sflag:s18] =	ssyncset.done @!p0 $0x0;
	p0 =	por p0, p0  }
0x21: {  	[sflag:s18] =	ssyncadd.s32 @!p0 $0xFFFFEC00  }
0x22: {  	[spmem:s2] =	stream.indirect.scatter.add.f32 @!p0 [tilespmem:s17], [sflag:$0x1], $0x28, s15, s16, $0xb8;
	[tilespmem:$0xCAC0] =	vst v63  }
0x23: {  	p1 =	sle.u32 s5, $0x1;
	s18 =	simm.s32 @!p0 $0x1;
	s17 =	simm.s32 $0x2  }
0x24: {  	s15 =	simm.s32 $0x2A80;
	s16 =	simm.s32 $0x80;
	_ =	swait.ge @!p0 [sflag:s18], $0x1400  }
.LBB2_2:
0x25: {  	s19 =	simm.s32 @!p1 $0x80;
	s20 =	simm.s32 @!p1 $0x5400;
	[sflag:s18] =	ssyncset.done @!p0 $0x0  }
0x26: {  	s21 =	smov.u32 s17;
	s22 =	smov.u32 s15;
	s17 =	sadd.s32 $0x1, s17  }
0x27: {  	s23 =	simm.s32 @!p1 $0x2;
	[sflag:s18] =	ssyncadd.s32 @!p0 $0xFFFFEC00;
	p2 =	sne.s32 s17, $0x54  }
0x28: {  	[tilespmem:s20], [sflag:$0x2] =	stream.indirect.gather @!p1 [hbm4b:s4+s19], $0x28, s16, s19, $0xb8;
	[tilespmem:$0xCAC0] =	vst v63  }
.Ltmp0:
0x29: {  	_ =	swait.ge @!p1 [sflag:s23], $0x1400;
	(pc) =	sbr.rel @p2 .LBB2_2-.Ltmp0, $4  }
0x2a: {  	p0 =	por p1, p1;
	[sflag:s23] =	ssyncset.done @!p1 $0x0  }
0x2b: {  	s15 =	sadd.s32 $0x80, s15;
	s18 =	simm.s32 @!p0 $0x1;
	[sflag:s23] =	ssyncadd.s32 @!p0 $0xFFFFEC00  }
0x2c: {  	[spmem:s2] =	stream.indirect.scatter.add.f32 @!p0 [tilespmem:s20], [sflag:$0x1], $0x28, s22, s19, $0xb8;
	[tilespmem:$0xCAC0] =	vst v63  }
0x2d: {  	s16 =	sadd.s32 $0x80, s16;
	p1 =	sge.u32 s21, s5;
	_ =	swait.ge @!p0 [sflag:s18], $0x1400  }
0x2e: {  	s17 =	simm.s32 @!p1 $0x80;
	[sflag:s18] =	ssyncset.done @!p0 $0x0  }
0x2f: {  	s19 =	simm.s32 @!p1 $0x5400;
	s20 =	simm.s32 @!p1 $0x2;
	[sflag:s18] =	ssyncadd.s32 @!p0 $0xFFFFEC00  }
0x30: {  	[tilespmem:s19], [sflag:$0x2] =	stream.indirect.gather @!p1 [hbm4b:s4+s17], $0x28, s16, s17, $0xb8;
	[tilespmem:$0xCAC0] =	vst v63  }
0x31: {  	_ =	swait.ge @!p1 [sflag:s20], $0x1400  }
0x32: {  	p0 =	por p1, p1;
	[sflag:s20] =	ssyncset.done @!p1 $0x0  }
0x33: {  	s16 =	simm.s32 @!p0 $0x1;
	[sflag:s20] =	ssyncadd.s32 @!p0 $0xFFFFEC00  }
0x34: {  	[spmem:s2] =	stream.indirect.scatter.add.f32 @!p0 [tilespmem:s19], [sflag:$0x1], $0x28, s15, s17, $0xb8;
	[tilespmem:$0xCAC0] =	vst v63  }
0x35: {  	_ =	swait.ge @!p0 [sflag:s16], $0x1400  }
0x36: {  	s14 =	sadd.s32 $0x1, s14;
	[sflag:s16] =	ssyncset.done @!p0 $0x0  }
0x37: {  	[sflag:s16] =	ssyncadd.s32 @!p0 $0xFFFFEC00;
	p0 =	sne.s32 s14, s11  }
.Ltmp1:
0x38: {  	[bflag:$0x0] =	sbarrier.arrive $0xFFFF;
	(pc) =	sbr.rel @p0 .LBB2_1-.Ltmp1, $4  }
0x39: {  	[hbm:s10], [sflag:s7] =	dma.local [spmem:s12], $0xC58  }
0x3a: {  	_ =	swait.ge [sflag:s13], $0xC58  }
0x3b: {  	[sflag:s13] =	ssyncset.done $0x0  }
0x3c: {  	[sflag:s13] =	ssyncadd.s32 $0xFFFFF3A8  }
0x3d: {  	_ =	sfence.sel $0x180000  }
0x3e: {  	[bflag:$0x0] =	sbarrier.arrive $0xFFFF  }
0x3f: {  	p0 =	sne.s32 s1, $0x0;
	_ =	strace $0x9000004D  }
0x40: {  	s0 =	sadd.s32 @!p0 $0x100000, s0;
	[bflag:$0x2] =	sbarrier.arrive $0xFFFF  }
0x41: {  	[sflag:s0] =	ssyncadd.tile.s32 @!p0 $0x1;
	_ =	shalt  }
.Lfunc_end2:
_tile_overlayer_lowered:
.L_overlay_start_2:
0x42: {  	(tag) =	ssettag $0x2  }
0x43: {  	s0 =	rddreg [dreg:$0x0];
	s2 =	stileid.u32  }
0x44: {  	s1 =	rddreg [dreg:$0x1];
	p0 =	sne.s32 s2, $0x0  }
0x45: {  	s3 =	rddreg [dreg:$0x2];
	[bflag:$0x3] =	sbarrier.arrive $0xFFFF;
	s2 =	simm.s32 @!p0 $0x1C01  }
0x46: {  	[timem:s3], [sflag:s2] =	dma.local @!p0 [hbm:s0], s1  }
0x47: {  	s0 =	simm.s32 @!p0 $0x1  }
0x48: {  	_ =	swait.ge @!p0 [sflag:s0], s1  }
0x49: {  	s1 =	ssub.s32 @!p0 $0x0, s1;
	[sflag:s0] =	ssyncset.done @!p0 $0x0  }
0x4a: {  	[sflag:s0] =	ssyncadd.s32 @!p0 s1  }
0x4b: {  	[bflag:$0x3] =	sbarrier.arrive $0xFFFF  }
0x4c: {  	_ =	shalt  }

// kernel: kernel.9.cloned.1.call-start
scs
__scs_entry_jumppad:
0x0: {  	(pc) =	sbr.rel $0x88, $3  }
0x1: {  	(tag) =	ssettag $0x0;
	lr =	simm.s32 $0x1  }
0x2: {  	[smem:$0x3F9B] =	sst lr;
	_ =	strace $0xD0000000  }
0x3: {  	_ = 	snop  }
0x4: {  	_ = 	snop  }
0x5: {  	_ = 	snop  }
0x6: {  	_ = 	snop  }
0x7: {  	_ = 	snop  }
__scs_overlays_trampoline_lowered:
0x8: {  	[smem:$0x3FAA] =	sst s0  }
0x9: {  	[smem:$0x3FAB] =	sst s1  }
0xa: {  	[smem:$0x3FAC] =	sst s2  }
0xb: {  	[smem:$0x3FAD] =	sst s3  }
0xc: {  	[smem:$0x3FAE] =	sst s4  }
0xd: {  	[smem:$0x3FAF] =	sst s5  }
0xe: {  	[smem:$0x3FB0] =	sst s6  }
0xf: {  	[smem:$0x3FB1] =	sst s7  }
0x10: {  	[smem:$0x3FB2] =	sst s8  }
0x11: {  	[smem:$0x3FB3] =	sst s9;
	s0 =	simm.s32 @!p0 $0x0  }
0x12: {  	s1 =	sld [smem:$0x3F99];
	s0 =	simm.s32 @p0 $0x1  }
0x13: {  	[smem:$0x3FB4] =	sst s0;
	s0 =	simm.s32 @!p1 $0x0  }
0x14: {  	s2 =	sld [smem:$0x3F98];
	s0 =	simm.s32 @p1 $0x1  }
0x15: {  	[smem:$0x3FB5] =	sst s0;
	s0 =	simm.s32 @!p2 $0x0  }
0x16: {  	s3 =	sld [smem:$0x3FDB];
	s0 =	simm.s32 @p2 $0x1  }
0x17: {  	s4 =	simm.s32 $0x1BF5;
	[smem:$0x3FB7] =	sst s0  }
0x18: {  	s0 =	sld [smem:$0x3F9A];
	_ =	swait.ge [sflag:s4], $0x0  }
0x19: {  	s7 =	sld [smem:$0x3F9B]  }
0x1a: {  	s8 =	sadd.s32 $0xFFFFE003, lr  }
0x1b: {  	s9 =	sadd.s32 $0xFFFFFEF7, lr;
	s5 =	simm.s32 $0xFFFFFFFF;
	p2 =	slt.u32 s8, $0xFFFFF086  }
0x1c: {  	p1 =	slt.u32 s9, $0xF7A;
	s5 =	simm.s32 @!p2 $0x0  }
0x1d: {  	s5 =	simm.s32 @p1 $0x1;
	p0 =	seq.s32 s7, s2  }
0x1e: {  	s7 =	smul.u32 @!p0 $0xF7A, s2;
	p2 =	seq.s32 @!p0 s5, $0x0  }
0x1f: {  	s9 =	smul.u32 $0xF7A, s1;
	s8 =	simm.s32 @!p0 $0x1BF5;
	p2 =	por !p2, p0  }
0x20: {  	[sflag:s8] =	ssyncset.s32 @!p0 $0xFFFFF086;
	s6 =	sadd.s32 @!p0 s3, s7;
	s7 =	simm.s32 @!p0 $0x108  }
0x21: {  	s3 =	sadd.s32 s3, s9;
	s6 =	sadd.s32 @!p0 $0x88, s6;
	s7 =	simm.s32 @p2 $0x1082  }
0x22: {  	[simem:s7], [sflag:s8] =	dma.local @!p0 [hbm:s6], $0xF7A  }
0x23: {  	s9 =	sor.u32 $0xD0000000, s2;
	s6 =	simm.s32 $0x108;
	_ =	swait.ge @!p0 [sflag:s8], $0x0  }
0x24: {  	s3 =	sadd.s32 $0x88, s3;
	s6 =	simm.s32 @!p1 $0x1082;
	[sflag:s4] =	ssyncset.s32 $0xFFFFF086  }
0x25: {  	[simem:s6], [sflag:s4] =	dma.local [hbm:s3], $0xF7A  }
0x26: {  	[smem:$0x3F9B] =	sst s1;
	(tag) =	ssettag s2;
	_ =	strace s9  }
0x27: {  	s1 =	sld [smem:$0x3FAB]  }
0x28: {  	s2 =	sld [smem:$0x3FAC]  }
0x29: {  	s4 =	sld [smem:$0x3FAE]  }
0x2a: {  	p0 =	seq.s32 s5, $0x0;
	s5 =	sld [smem:$0x3FAF]  }
0x2b: {  	s6 =	sld [smem:$0x3FB0]  }
0x2c: {  	s7 =	sld [smem:$0x3FB1]  }
0x2d: {  	s3 =	simm.s32 $0x108;
	s8 =	sld [smem:$0x3FB2]  }
0x2e: {  	s3 =	simm.s32 @!p0 $0x1082;
	s9 =	sld [smem:$0x3FB3]  }
0x2f: {  	lr =	sadd.s32 s0, s3;
	s0 =	sld [smem:$0x3FAA]  }
0x30: {  	s3 =	sld [smem:$0x3FAD]  }
0x31: {  	[smem:$0x3FB6] =	sst s10  }
0x32: {  	s10 =	sld [smem:$0x3FB4];
	_ =	sdelay $0x3  }
0x33: {  	p0 =	seq.s32 s10, $0x1;
	s10 =	sld [smem:$0x3FB6];
	_ =	sdelay $0x3  }
0x34: {  	[smem:$0x3FB6] =	sst s10  }
0x35: {  	s10 =	sld [smem:$0x3FB5];
	_ =	sdelay $0x3  }
0x36: {  	p1 =	seq.s32 s10, $0x1;
	s10 =	sld [smem:$0x3FB6];
	_ =	sdelay $0x3  }
0x37: {  	[smem:$0x3FB6] =	sst s10  }
0x38: {  	s10 =	sld [smem:$0x3FB7]  }
0x39: {  	_ = 	snop;
	(pc) =	sbr.ind lr, $3  }
0x3a: {  	_ = 	snop  }
0x3b: {  	_ = 	snop  }
0x3c: {  	p2 =	seq.s32 s10, $0x1;
	s10 =	sld [smem:$0x3FB6]  }
0x3d: {  	_ =	shalt  }
0x3e: {  	_ =	shalt  }
0x3f: {  	_ =	shalt  }
0x40: {  	_ =	shalt  }
0x41: {  	_ =	shalt  }
0x42: {  	_ =	shalt  }
0x43: {  	_ =	shalt  }
0x44: {  	_ =	shalt  }
0x45: {  	_ =	shalt  }
0x46: {  	_ =	shalt  }
0x47: {  	_ =	shalt  }
0x48: {  	_ =	shalt  }
0x49: {  	_ =	shalt  }
0x4a: {  	_ =	shalt  }
0x4b: {  	_ =	shalt  }
0x4c: {  	_ =	shalt  }
0x4d: {  	_ =	shalt  }
0x4e: {  	_ =	shalt  }
0x4f: {  	_ =	shalt  }
0x50: {  	_ =	shalt  }
0x51: {  	_ =	shalt  }
0x52: {  	_ =	shalt  }
0x53: {  	_ =	shalt  }
0x54: {  	_ =	shalt  }
0x55: {  	_ =	shalt  }
0x56: {  	_ =	shalt  }
0x57: {  	_ =	shalt  }
0x58: {  	_ =	shalt  }
0x59: {  	_ =	shalt  }
0x5a: {  	_ =	shalt  }
0x5b: {  	_ =	shalt  }
0x5c: {  	_ =	shalt  }
0x5d: {  	_ =	shalt  }
0x5e: {  	_ =	shalt  }
0x5f: {  	_ =	shalt  }
0x60: {  	_ =	shalt  }
0x61: {  	_ =	shalt  }
0x62: {  	_ =	shalt  }
0x63: {  	_ =	shalt  }
0x64: {  	_ =	shalt  }
0x65: {  	_ =	shalt  }
0x66: {  	_ =	shalt  }
0x67: {  	_ =	shalt  }
0x68: {  	_ =	shalt  }
0x69: {  	_ =	shalt  }
0x6a: {  	_ =	shalt  }
0x6b: {  	_ =	shalt  }
0x6c: {  	_ =	shalt  }
0x6d: {  	_ =	shalt  }
0x6e: {  	_ =	shalt  }
0x6f: {  	_ =	shalt  }
0x70: {  	_ =	shalt  }
0x71: {  	_ =	shalt  }
0x72: {  	_ =	shalt  }
0x73: {  	_ =	shalt  }
0x74: {  	_ =	shalt  }
0x75: {  	_ =	shalt  }
0x76: {  	_ =	shalt  }
0x77: {  	_ =	shalt  }
0x78: {  	_ =	shalt  }
0x79: {  	_ =	shalt  }
0x7a: {  	_ =	shalt  }
0x7b: {  	_ =	shalt  }
0x7c: {  	_ =	shalt  }
0x7d: {  	_ =	shalt  }
0x7e: {  	_ =	shalt  }
0x7f: {  	_ =	shalt  }
0x80: {  	_ =	shalt  }
0x81: {  	_ =	shalt  }
0x82: {  	_ =	shalt  }
0x83: {  	_ =	shalt  }
0x84: {  	_ =	shalt  }
0x85: {  	_ =	shalt  }
0x86: {  	_ =	shalt  }
0x87: {  	_ =	shalt  }
.Lfunc_end0:
.L_simem_size_0:
called_computation_lowered:
.L_overlay_start_0:
0x88: {  	s2 =	sld [smem:$0x3FD9]  }
0x89: {  	s3 =	sld [smem:$0x3FFE];
	_ =	sdelay $0x1  }
0x8a: {  	s1 =	srdreg.scid  }
0x8b: {  	s0 =	sand.u32 $0x1, s1  }
0x8c: {  	s17 =	sshll.u32 s0, $0xA;
	s2 =	sadd.s32 s3, s2  }
0x8d: {  	s2 =	sadd.s32 s2, s17  }
0x8e: {  	[smem:$0x3FC2] =	sst s2  }
0x8f: {  	_ = 	snop  }
0x90: {  	s2 =	sld [smem:$0x3FD0];
	(tm) =	ssettm $0x1  }
0x91: {  	s18 =	sld [smem:$0x3FFB];
	_ =	sdelay $0x3  }
0x92: {  	_ =	strace s18  }
0x93: {  	s3 =	sld [smem:$0x3FFC];
	_ =	sdelay $0x3  }
0x94: {  	_ =	strace s3  }
0x95: {  	s3 =	sld [smem:$0x3FFD];
	_ =	sdelay $0x3  }
0x96: {  	_ =	strace s3  }
0x97: {  	_ =	strace $0x8FFFFFFF  }
0x98: {  	s19 =	sld [smem:$0x3FDB];
	_ =	sdelay $0x1  }
0x99: {  	s4 =	simm.s32 $_scs_section_size  }
0x9a: {  	s5 =	simm.s32 $_size__tile_overlayer_lowered;
	s6 =	simm.s32 $_tile_overlayer_lowered  }
0x9b: {  	s22 =	simm.s32 $0x1BFF;
	s21 =	sshll.u32 s6, $0x1;
	s3 =	sadd.s32 s4, s19  }
0x9c: {  	s7 =	simm.s32 $0x0;
	s20 =	sshll.u32 s5, $0x1;
	s5 =	sadd.s32 s21, s3  }
0x9d: {  	[timem:s7], [sflag:s22] =	dma.local [hbm:s5], s20  }
0x9e: {  	_ =	swait.ge [sflag:s22], s20  }
0x9f: {  	s4 =	ssub.s32 $0x0, s20;
	[sflag:s22] =	ssyncset.done $0x0  }
0xa0: {  	[sflag:s22] =	ssyncadd.s32 s4;
	_ =	sdelay $0x1  }
0xa1: {  	s23 =	simm.s32 $0x1B8B  }
0xa2: {  	_ =	swait.ge [sflag:s23], $0x1  }
0xa3: {  	[sflag:s23] =	ssyncset.done $0x0  }
0xa4: {  	s25 =	simm.s32 $0x1B8E;
	s24 =	sld [smem:$0x3FFE];
	[sflag:s23] =	ssyncadd.s32 $0xFFFFFFFF  }
0xa5: {  	s26 =	simm.s32 $execute0_lowered;
	[smem:$0x3FD2] =	sst s25  }
0xa6: {  	s5 =	sshll.u32 s26, $0x1;
	_ =	strace $0x80000046;
	[dreg:$0x1] =	wrdreg $0xFFFFFFFF  }
0xa7: {  	s28 =	simm.s32 $_size_execute0_lowered;
	s3 =	sadd.s32 s3, s5;
	[dreg:$0x0] =	wrdreg $0x0  }
0xa8: {  	s5 =	sshll.u32 s28, $0x1;
	[dreg:$0x2] =	wrdreg s3  }
0xa9: {  	[dreg:$0x3] =	wrdreg s5  }
0xaa: {  	[dreg:$0x4] =	wrdreg $0xC0  }
0xab: {  	_ =	task [dreg:s7], $0x5FFFF  }
0xac: {  	[dreg:$0x1] =	wrdreg $0xFFFFFFFF  }
0xad: {  	[dreg:$0x0] =	wrdreg $0x60  }
0xae: {  	[dreg:$0x2] =	wrdreg s24  }
0xaf: {  	[dreg:$0x3] =	wrdreg s2  }
0xb0: {  	[dreg:$0x4] =	wrdreg $0x2E000  }
0xb1: {  	[dreg:$0x5] =	wrdreg $0x9  }
0xb2: {  	_ =	task.clear_ibuf [dreg:s7], $0x6FFFF;
	_ =	strace $0x90000046  }
0xb3: {  	s29 =	simm.s32 $0x9;
	_ =	strace $0x80000048  }
0xb4: {  	_ =	swait.ge [sflag:s29], $0x1  }
0xb5: {  	[sflag:s29] =	ssyncadd.s32 $0xFFFFFFFF  }
0xb6: {  	_ =	strace $0x90000048  }
0xb7: {  	_ =	sfence  }
0xb8: {  	s30 =	sld [smem:$0x0];
	_ =	sdelay $0x2  }
0xb9: {  	s31 =	sshll.u32 s1, $0xD;
	s1 =	sshrl.u32 s1, $0x2  }
0xba: {  	s3 =	sand.u32 $0x4000, s31;
	s1 =	sadd.s32 s1, s30  }
0xbb: {  	s0 =	sor.u32 s3, s0;
	s1 =	sshll.u32 s1, $0x11  }
0xbc: {  	s0 =	sor.u32 s1, s0  }
0xbd: {  	s0 =	sadd.s32 $0x8F2B, s0  }
0xbe: {  	[sflag:s0] =	ssyncadd.remote.s32 $0x1  }
0xbf: {  	_ =	sfence.sel $0xFFFF  }
0xc0: {  	[dreg:$0x0] =	wrdreg $0xFFFFFFFF;
	(pc) =	sbr.abs _section_cstart, $3  }
0xc1: {  	[dreg:$0x1] =	wrdreg $0xFFFFFFFF  }
0xc2: {  	_ =	task.clear_ibuf [dreg:s7], $0x2FFFF;
	_ =	strace $0x9FFFFFFF  }
0xc3: {  	(tm) =	ssettm $0x7FFFFFFF  }
tec
execute0_lowered:
.L_overlay_start_1:
0x0: {  	(tag) =	ssettag $0x1  }
0x1: {  	s5 =	rddreg [dreg:$0x0]  }
0x2: {  	s9 =	rddreg [dreg:$0x1]  }
0x3: {  	s0 =	stileid.u32;
	s1 =	srdreg.scid  }
0x4: {  	s2 =	rddreg [dreg:$0x2];
	s14 =	simm.s32 $0x0;
	s3 =	smul.u32 $0x49, s0  }
0x5: {  	s6 =	sand.u32 $0x1, s1;
	s4 =	smul.u32 $0x54, s0;
	s1 =	rddreg [dreg:$0x3]  }
0x6: {  	s8 =	smul.u32 $0x13C0, s0;
	s30 =	sshll.u32 s0, $0x6;
	p0 =	seq.s32 s6, $0x0  }
0x7: {  	s11 =	ssub.s32 $0x2, s6;
	s13 =	smul.u32 $0x13C00, s6;
	s7 =	sadd.s32 $0x540, s3  }
0x8: {  	s3 =	simm.s32 $0x0;
	s28 =	sshrl.u32 s8, $0x3;
	s12 =	sshrl.u32 s11, $0x1  }
0x9: {  	s29 =	sadd.s32 s8, s2;
	s7 =	smov.u32 @p0 s4;
	[smem:$0x7FF] =	sst s3  }
0xa: {  	s11 =	ssub.s32 s11, s12;
	s13 =	sadd.s32 s8, s13;
	s12 =	simm.s32 $0x1  }
0xb: {  	s4 =	sshll.u32 s7, $0x4;
	_ =	strace $0x80000047;
	s7 =	sadd.s32 s28, s5  }
0xc: {  	s31 =	sshrl.u32 s13, $0x3;
	s13 =	simm.s32 $0x2A00;
	s10 =	sadd.s32 s4, s5  }
0xd: {  	s4 =	sadd.s32 $0x19E00, s5;
	s5 =	simm.s32 $0x54;
	s6 =	sadd.s32 $0x17600, s7  }
0xe: {  	s7 =	sor.u32 $0x1C01, s30;
	s9 =	sadd.s32 s9, s31;
	s5 =	simm.s32 @!p0 $0x49  }
0xf: {  	s8 =	sadd.s32 $0xD240, s10;
	s10 =	smax.u32 s11, $0x1;
	s11 =	sshrl.u32 s29, $0x3  }
.LBB2_1:
0x10: {  	[spmem:s11], [sflag:s7] =	dma.local [hbm:s6], $0x278  }
0x11: {  	_ =	swait.ge [sflag:s12], $0x278  }
0x12: {  	[sflag:s12] =	ssyncset.done $0x0  }
0x13: {  	[sflag:s12] =	ssyncadd.s32 $0xFFFFFD88  }
0x14: {  	[tilespmem:s3], [sflag:$0x1] =	stream.linear.gather [hbm4b:s8+s3], $0x2A00, $0x38;
	[tilespmem:$0x41C0] =	vst v63  }
0x15: {  	_ =	swait.ge [sflag:s12], $0x2A00  }
0x16: {  	[sflag:s12] =	ssyncset.done $0x0  }
0x17: {  	[sflag:s12] =	ssyncadd.s32 $0xFFFFD600  }
0x18: {  	[tilespmem:s13], [sflag:$0x1] =	stream.linear.gather [hbm4b:s4+s3], $0x400, $0x38;
	[tilespmem:$0x41C0] =	vst v63  }
0x19: {  	_ =	swait.ge [sflag:s12], $0x400  }
0x1a: {  	p0 =	sle.u32 s5, $0x0;
	[sflag:s12] =	ssyncset.done $0x0  }
0x1b: {  	s15 =	simm.s32 @!p0 $0x80;
	[sflag:s12] =	ssyncadd.s32 $0xFFFFFC00  }
0x1c: {  	s16 =	simm.s32 @!p0 $0x2A00;
	s17 =	simm.s32 @!p0 $0x1;
	[bflag:$0x0] =	sbarrier.arrive $0xFFFF  }
0x1d: {  	[spmem:s2] =	stream.indirect.scatter.add.f32 @!p0 [tilespmem:s16], [sflag:$0x1], $0x8, s3, s15, $0xb8;
	[tilespmem:$0x41C0] =	vst v63  }
0x1e: {  	_ =	swait.ge @!p0 [sflag:s17], $0x400  }
0x1f: {  	s15 =	simm.s32 $0x1;
	s16 =	simm.s32 $0x0;
	[sflag:s17] =	ssyncset.done @!p0 $0x0  }
.LBB2_2:
0x20: {  	[sflag:s17] =	ssyncadd.s32 @!p0 $0xFFFFFC00;
	s17 =	smov.u32 s15;
	s15 =	sadd.s32 $0x1, s15  }
0x21: {  	s16 =	sadd.s32 $0x80, s16;
	p1 =	sne.s32 s15, $0x54  }
.Ltmp0:
0x22: {  	p0 =	sge.u32 s17, s5;
	(pc) =	sbr.rel @p1 .LBB2_2-.Ltmp0, $4  }
0x23: {  	s18 =	simm.s32 @!p0 $0x80;
	s19 =	simm.s32 @!p0 $0x2A00;
	s17 =	simm.s32 @!p0 $0x1  }
0x24: {  	[spmem:s2] =	stream.indirect.scatter.add.f32 @!p0 [tilespmem:s19], [sflag:$0x1], $0x8, s16, s18, $0xb8;
	[tilespmem:$0x41C0] =	vst v63  }
0x25: {  	_ =	swait.ge @!p0 [sflag:s17], $0x400  }
0x26: {  	[sflag:s17] =	ssyncset.done @!p0 $0x0  }
0x27: {  	s14 =	sadd.s32 $0x1, s14  }
0x28: {  	[sflag:s17] =	ssyncadd.s32 @!p0 $0xFFFFFC00;
	p0 =	sne.s32 s14, s10  }
.Ltmp1:
0x29: {  	[bflag:$0x0] =	sbarrier.arrive $0xFFFF;
	(pc) =	sbr.rel @p0 .LBB2_1-.Ltmp1, $4  }
0x2a: {  	[hbm:s9], [sflag:s7] =	dma.local [spmem:s11], $0x278  }
0x2b: {  	_ =	swait.ge [sflag:s12], $0x278  }
0x2c: {  	[sflag:s12] =	ssyncset.done $0x0  }
0x2d: {  	[sflag:s12] =	ssyncadd.s32 $0xFFFFFD88  }
0x2e: {  	_ =	sfence.sel $0x180000  }
0x2f: {  	[bflag:$0x0] =	sbarrier.arrive $0xFFFF  }
0x30: {  	p0 =	sne.s32 s0, $0x0;
	_ =	strace $0x90000047  }
0x31: {  	s0 =	sadd.s32 @!p0 $0x100000, s1;
	[bflag:$0x2] =	sbarrier.arrive $0xFFFF  }
0x32: {  	[sflag:s0] =	ssyncadd.tile.s32 @!p0 $0x1;
	_ =	shalt  }
.Lfunc_end2:
_tile_overlayer_lowered:
.L_overlay_start_2:
0x33: {  	(tag) =	ssettag $0x2  }
0x34: {  	s0 =	rddreg [dreg:$0x0];
	s2 =	stileid.u32  }
0x35: {  	s1 =	rddreg [dreg:$0x1];
	p0 =	sne.s32 s2, $0x0  }
0x36: {  	s3 =	rddreg [dreg:$0x2];
	[bflag:$0x3] =	sbarrier.arrive $0xFFFF;
	s2 =	simm.s32 @!p0 $0x1C01  }
0x37: {  	[timem:s3], [sflag:s2] =	dma.local @!p0 [hbm:s0], s1  }
0x38: {  	s0 =	simm.s32 @!p0 $0x1  }
0x39: {  	_ =	swait.ge @!p0 [sflag:s0], s1  }
0x3a: {  	s1 =	ssub.s32 @!p0 $0x0, s1;
	[sflag:s0] =	ssyncset.done @!p0 $0x0  }
0x3b: {  	[sflag:s0] =	ssyncadd.s32 @!p0 s1  }
0x3c: {  	[bflag:$0x3] =	sbarrier.arrive $0xFFFF  }
0x3d: {  	_ =	shalt  }

</sc_bundles>
